<compile_context>
chip_gen: v7x
topology: tpu7x:2x2x1
jax: 0.10.2.dev20260603
libtpu: 0.0.44.dev20260713+nightly
codegen_flags: <defaults>
</compile_context>

<pallas_src>
import functools

import jax
import jax.numpy as jnp
from jax import lax
from jax.experimental import pallas as pl
from jax.experimental.pallas import tpu as pltpu
from jax.experimental.pallas import tpu_sc as plsc

HIDDEN = 1024
BATCH = 4
SEQ = 8192
ROWS = BATCH * SEQ
NC, NS = 2, 16
NW = NC * NS
GR = 16
NBUF = 2
JCH = HIDDEN // 16

SC_BATCH = 2
TC_ROWS = (BATCH - SC_BATCH) * SEQ
TC_BLOCK = 2048

_mesh = plsc.VectorSubcoreMesh(core_axis_name="c", subcore_axis_name="s")

_DIMS = lax.GatherDimensionNumbers(
    offset_dims=(), collapsed_slice_dims=(0,), start_index_map=(0,)
)


def _lane_splat(vec, lane):
    return lax.gather(
        vec,
        jnp.full((16, 1), lane, jnp.int32),
        _DIMS,
        (1,),
        mode=lax.GatherScatterMode.PROMISE_IN_BOUNDS,
    )


RPW = SC_BATCH * SEQ // NW
WPB = SEQ // RPW
GROUPS = RPW // GR


@functools.partial(
    pl.kernel,
    mesh=_mesh,
    out_type=jax.ShapeDtypeStruct((BATCH, SEQ, HIDDEN), jnp.float32),
    scratch_types=[
        pltpu.VMEM((RPW,), jnp.int32),
        pltpu.VMEM((2, HIDDEN), jnp.float32),
        pltpu.VMEM((NBUF, GR, HIDDEN), jnp.float32),
        pltpu.SemaphoreType.DMA,
    ],
)
def _sc_part(seg_hbm, table_hbm, out_hbm, idx_v, tab_v, bufs, ssem):
    wid = lax.axis_index("s") * NC + lax.axis_index("c")
    bi = lax.div(wid, WPB)
    srow = lax.rem(wid, WPB) * RPW
    pltpu.sync_copy(seg_hbm.at[bi].at[pl.ds(srow, RPW)], idx_v)
    pltpu.sync_copy(table_hbm, tab_v)
    out_w = out_hbm.at[bi]

    def wait_one_scatter():
        pltpu.make_async_copy(
            out_w.at[pl.ds(srow, GR)], bufs.at[0], ssem
        ).wait()

    def outer(o, carry):
        for b in range(NBUF):
            g = o * NBUF + b
            off = pl.multiple_of(g * GR, GR)
            idx16 = idx_v[pl.ds(off, 16)]
            mults = [
                _lane_splat(idx16, r).astype(jnp.float32) for r in range(GR)
            ]

            @pl.when(o > 0)
            def _():
                wait_one_scatter()

            def jbody(j, c, _b=b, _mults=mults):
                jo = pl.multiple_of(j * 16, 16)
                t0 = tab_v.at[0][pl.ds(jo, 16)]
                d = tab_v.at[1][pl.ds(jo, 16)] - t0
                for r in range(GR):
                    bufs.at[_b].at[r][pl.ds(jo, 16)] = t0 + _mults[r] * d
                return c

            lax.fori_loop(0, JCH, jbody, 0)
            pltpu.async_copy(
                bufs.at[b], out_w.at[pl.ds(srow + off, GR)], ssem
            )
        return carry

    lax.fori_loop(0, GROUPS // NBUF, outer, 0)
    for _ in range(NBUF):
        wait_one_scatter()


def _tc_body(seg_ref, tab_ref, alias_ref, out_ref):
    del alias_ref
    b = pl.program_id(0)
    seg = seg_ref[pl.ds(b + SC_BATCH, 1), :]
    segT = jnp.transpose(seg)
    t0 = tab_ref[0:1, :]
    t1 = tab_ref[1:2, :]
    out_ref[...] = jnp.where(segT == 0, t0, t1)


_SC_BLOCKS = SC_BATCH * SEQ // TC_BLOCK
_CPB = SEQ // TC_BLOCK


def _tc_fill(seg, table, partial):
    return pl.pallas_call(
        _tc_body,
        grid=(BATCH - SC_BATCH, _CPB),
        in_specs=[
            pl.BlockSpec((BATCH, TC_BLOCK), lambda b, c: (0, c)),
            pl.BlockSpec((2, HIDDEN), lambda b, c: (0, 0)),
            pl.BlockSpec(memory_space=pl.ANY),
        ],
        out_specs=pl.BlockSpec(
            (TC_BLOCK, HIDDEN),
            lambda b, c: (_SC_BLOCKS + b * _CPB + c, 0),
        ),
        out_shape=jax.ShapeDtypeStruct((ROWS, HIDDEN), jnp.float32),
        input_output_aliases={2: 0},
    )(seg, table, partial)


def kernel(segments, table):
    seg = segments.astype(jnp.int32)
    part = _sc_part(seg, table)
    out = _tc_fill(seg, table, part.reshape(ROWS, HIDDEN))
    return out.reshape(BATCH, SEQ, HIDDEN)

# --- scband reference (transcript-rebuilt; emitter-appended) ---
"""Pipeline reference for scband-segment-embedding-33887291965937 (READ-ONLY COPY).

The authoritative reference and input builder live on the scoring server;
editing this copy changes nothing except your own understanding.
"""

import jax, jax.numpy as jnp
import numpy as np

HIDDEN = 1024
BATCH = 4
SEQ = 8192

def setup_inputs(seed: int = 0) -> dict:
    key = jax.random.key(seed)
    k1, k2 = jax.random.split(key)
    segments = jax.random.randint(k1, (BATCH, SEQ), 0, 2, dtype=jnp.int64 if jax.config.jax_enable_x64 else jnp.int32)
    table = jax.random.normal(k2, (2, HIDDEN), dtype=jnp.float32)
    return {"segments": segments, "table": table}

def reference(segments, table):
    # nn.Embedding forward: gather rows of the table by index
    return jnp.take(table, segments, axis=0)

if __name__ == "__main__":
    import jax
    _d = setup_inputs()
    print(jax.jit(kernel)(*tuple(_d.values())))

</pallas_src>

<mosaic_0001>
#map = affine_map<(d0, d1) -> (0, 0)>
#map1 = affine_map<(d0, d1) -> (0, 0, 0)>
module attributes {stable_mosaic.version = 14 : i64} {
  func.func @_sc_part(%arg0: i32, %arg1: i32, %arg2: memref<4x8192xi32, #tpu.memory_space<hbm>>, %arg3: memref<2x1024xf32, #tpu.memory_space<hbm>>, %arg4: memref<4x8192x1024xf32, #tpu.memory_space<hbm>>, %arg5: memref<512xi32, #tpu.memory_space<vmem>>, %arg6: memref<2x1024xf32, #tpu.memory_space<vmem>>, %arg7: memref<2x16x1024xf32, #tpu.memory_space<vmem>>, %arg8: memref<!tpu.dma_semaphore, #tpu.memory_space<semaphore_mem>>) attributes {dimension_semantics = [#tpu.dimension_semantics<core_parallel>, #tpu.dimension_semantics<subcore_parallel>], iteration_bounds = array<i64: 2, 16>, scalar_prefetch = 0 : i64, scratch_operands = 4 : i64, tpu.core_type = #tpu.core_type<sc_vector_subcore>, window_params = [{transform_indices = #map}, {transform_indices = #map}, {transform_indices = #map1}]} {
    %mul3A = arith.constant 2 : i32
    %mul3A_0 = arith.muli %arg1, %mul3A : i32
    %add3A = arith.addi %mul3A_0, %arg0 : i32
    %div3A = arith.constant 16 : i32
    %div3A_1 = arith.divsi %add3A, %div3A : i32
    %rem3A = arith.constant 16 : i32
    %rem3A_2 = arith.remsi %add3A, %rem3A : i32
    %mul3A_3 = arith.constant 512 : i32
    %mul3A_4 = arith.muli %rem3A_2, %mul3A_3 : i32
    "tpu.region"() ({
      %run_scoped3A = tpu.sem_alloc : memref<!tpu.dma_semaphore, #tpu.memory_space<semaphore_mem>>
      %dma_start3A = arith.constant 0 : i32
      %dma_start3A_51 = tpu.memref_slice %arg2[%div3A_1, %dma_start3A] : memref<4x8192xi32, #tpu.memory_space<hbm>> -> memref<1x8192xi32, #tpu.memory_space<hbm>>
      %dma_start3A_52 = tpu.memref_squeeze %dma_start3A_51 : memref<1x8192xi32, #tpu.memory_space<hbm>> -> memref<8192xi32, #tpu.memory_space<hbm>>
      %dma_start3A_53 = tpu.memref_slice %dma_start3A_52[%mul3A_4] : memref<8192xi32, #tpu.memory_space<hbm>> -> memref<512xi32, #tpu.memory_space<hbm>>
      %dma_start3A_54 = arith.constant 0 : i32
      %dma_start3A_55 = tpu.memref_slice %arg2[%div3A_1, %dma_start3A_54] : memref<4x8192xi32, #tpu.memory_space<hbm>> -> memref<1x8192xi32, #tpu.memory_space<hbm>>
      %dma_start3A_56 = tpu.memref_squeeze %dma_start3A_55 : memref<1x8192xi32, #tpu.memory_space<hbm>> -> memref<8192xi32, #tpu.memory_space<hbm>>
      %dma_start3A_57 = tpu.memref_slice %dma_start3A_56[%mul3A_4] : memref<8192xi32, #tpu.memory_space<hbm>> -> memref<512xi32, #tpu.memory_space<hbm>>
      tpu.enqueue_dma source(%dma_start3A_57 : memref<512xi32, #tpu.memory_space<hbm>>) target(%arg5 : memref<512xi32, #tpu.memory_space<vmem>>) target_semaphore(%run_scoped3A : memref<!tpu.dma_semaphore, #tpu.memory_space<semaphore_mem>>)
      %dma_wait3A_58 = arith.constant 0 : i32
      %dma_wait3A_59 = tpu.memref_slice %arg2[%div3A_1, %dma_wait3A_58] : memref<4x8192xi32, #tpu.memory_space<hbm>> -> memref<1x8192xi32, #tpu.memory_space<hbm>>
      %dma_wait3A_60 = tpu.memref_squeeze %dma_wait3A_59 : memref<1x8192xi32, #tpu.memory_space<hbm>> -> memref<8192xi32, #tpu.memory_space<hbm>>
      %dma_wait3A_61 = tpu.memref_slice %dma_wait3A_60[%mul3A_4] : memref<8192xi32, #tpu.memory_space<hbm>> -> memref<512xi32, #tpu.memory_space<hbm>>
      %dma_wait3A_62 = arith.constant 0 : i32
      %dma_wait3A_63 = tpu.memref_slice %arg2[%div3A_1, %dma_wait3A_62] : memref<4x8192xi32, #tpu.memory_space<hbm>> -> memref<1x8192xi32, #tpu.memory_space<hbm>>
      %dma_wait3A_64 = tpu.memref_squeeze %dma_wait3A_63 : memref<1x8192xi32, #tpu.memory_space<hbm>> -> memref<8192xi32, #tpu.memory_space<hbm>>
      %dma_wait3A_65 = tpu.memref_slice %dma_wait3A_64[%mul3A_4] : memref<8192xi32, #tpu.memory_space<hbm>> -> memref<512xi32, #tpu.memory_space<hbm>>
      tpu.wait_dma2 semaphore(%run_scoped3A : memref<!tpu.dma_semaphore, #tpu.memory_space<semaphore_mem>>) src(%dma_wait3A_65 : memref<512xi32, #tpu.memory_space<hbm>>) dst(%arg5 : memref<512xi32, #tpu.memory_space<vmem>>)
      tpu.yield
    }) : () -> ()
    "tpu.region"() ({
      %run_scoped3A = tpu.sem_alloc : memref<!tpu.dma_semaphore, #tpu.memory_space<semaphore_mem>>
      tpu.enqueue_dma source(%arg3 : memref<2x1024xf32, #tpu.memory_space<hbm>>) target(%arg6 : memref<2x1024xf32, #tpu.memory_space<vmem>>) target_semaphore(%run_scoped3A : memref<!tpu.dma_semaphore, #tpu.memory_space<semaphore_mem>>)
      tpu.wait_dma2 semaphore(%run_scoped3A : memref<!tpu.dma_semaphore, #tpu.memory_space<semaphore_mem>>) src(%arg3 : memref<2x1024xf32, #tpu.memory_space<hbm>>) dst(%arg6 : memref<2x1024xf32, #tpu.memory_space<vmem>>)
      tpu.yield
    }) : () -> ()
    %scan3A = arith.constant 0 : i32
    %scan3A_5 = arith.constant 0 : i32
    %scan3A_6 = arith.constant 16 : i32
    %scan3A_7 = arith.addi %scan3A_5, %scan3A_6 : i32
    %scan3A_8 = arith.constant 1 : i32
    scf.for %scan3A_51 = %scan3A_5 to %scan3A_7 step %scan3A_8  : i32 {
      %mul3A_52 = arith.constant 2 : i32
      %mul3A_53 = arith.muli %scan3A_51, %mul3A_52 : i32
      %add3A_54 = arith.constant 0 : i32
      %add3A_55 = arith.addi %mul3A_53, %add3A_54 : i32
      %mul3A_56 = arith.constant 16 : i32
      %mul3A_57 = arith.muli %add3A_55, %mul3A_56 : i32
      %multiple_of3A = tpu.assume_multiple %mul3A_57, 16 : i32
      %get3A = arith.index_cast %multiple_of3A : i32 to index
      %get3A_58 = tpu.vector_load %arg5[%get3A] {strides = array<i32>} : memref<512xi32, #tpu.memory_space<vmem>>, vector<16xi32>,
      %get3A_59 = vector.shape_cast %get3A_58 : vector<16xi32> to vector<16xi32>
      %broadcast_in_dim3A = arith.constant 0 : i32
      %broadcast_in_dim3A_60 = vector.broadcast %broadcast_in_dim3A : i32 to vector<16x1xi32>
      %gather3A = vector.shape_cast %broadcast_in_dim3A_60 : vector<16x1xi32> to vector<16xi32>
      %gather3A_61 = tpu.dynamic_gather %get3A_59[%gather3A] in [0] : vector<16xi32>, vector<16xi32> -> vector<16xi32>
      %convert_element_type3A = arith.sitofp %gather3A_61 : vector<16xi32> to vector<16xf32>
      %broadcast_in_dim3A_62 = arith.constant 1 : i32
      %broadcast_in_dim3A_63 = vector.broadcast %broadcast_in_dim3A_62 : i32 to vector<16x1xi32>
      %gather3A_64 = vector.shape_cast %broadcast_in_dim3A_63 : vector<16x1xi32> to vector<16xi32>
      %gather3A_65 = tpu.dynamic_gather %get3A_59[%gather3A_64] in [0] : vector<16xi32>, vector<16xi32> -> vector<16xi32>
      %convert_element_type3A_66 = arith.sitofp %gather3A_65 : vector<16xi32> to vector<16xf32>
      %broadcast_in_dim3A_67 = arith.constant 2 : i32
      %broadcast_in_dim3A_68 = vector.broadcast %broadcast_in_dim3A_67 : i32 to vector<16x1xi32>
      %gather3A_69 = vector.shape_cast %broadcast_in_dim3A_68 : vector<16x1xi32> to vector<16xi32>
      %gather3A_70 = tpu.dynamic_gather %get3A_59[%gather3A_69] in [0] : vector<16xi32>, vector<16xi32> -> vector<16xi32>
      %convert_element_type3A_71 = arith.sitofp %gather3A_70 : vector<16xi32> to vector<16xf32>
      %broadcast_in_dim3A_72 = arith.constant 3 : i32
      %broadcast_in_dim3A_73 = vector.broadcast %broadcast_in_dim3A_72 : i32 to vector<16x1xi32>
      %gather3A_74 = vector.shape_cast %broadcast_in_dim3A_73 : vector<16x1xi32> to vector<16xi32>
      %gather3A_75 = tpu.dynamic_gather %get3A_59[%gather3A_74] in [0] : vector<16xi32>, vector<16xi32> -> vector<16xi32>
      %convert_element_type3A_76 = arith.sitofp %gather3A_75 : vector<16xi32> to vector<16xf32>
      %broadcast_in_dim3A_77 = arith.constant 4 : i32
      %broadcast_in_dim3A_78 = vector.broadcast %broadcast_in_dim3A_77 : i32 to vector<16x1xi32>
      %gather3A_79 = vector.shape_cast %broadcast_in_dim3A_78 : vector<16x1xi32> to vector<16xi32>
      %gather3A_80 = tpu.dynamic_gather %get3A_59[%gather3A_79] in [0] : vector<16xi32>, vector<16xi32> -> vector<16xi32>
      %convert_element_type3A_81 = arith.sitofp %gather3A_80 : vector<16xi32> to vector<16xf32>
      %broadcast_in_dim3A_82 = arith.constant 5 : i32
      %broadcast_in_dim3A_83 = vector.broadcast %broadcast_in_dim3A_82 : i32 to vector<16x1xi32>
      %gather3A_84 = vector.shape_cast %broadcast_in_dim3A_83 : vector<16x1xi32> to vector<16xi32>
      %gather3A_85 = tpu.dynamic_gather %get3A_59[%gather3A_84] in [0] : vector<16xi32>, vector<16xi32> -> vector<16xi32>
      %convert_element_type3A_86 = arith.sitofp %gather3A_85 : vector<16xi32> to vector<16xf32>
      %broadcast_in_dim3A_87 = arith.constant 6 : i32
      %broadcast_in_dim3A_88 = vector.broadcast %broadcast_in_dim3A_87 : i32 to vector<16x1xi32>
      %gather3A_89 = vector.shape_cast %broadcast_in_dim3A_88 : vector<16x1xi32> to vector<16xi32>
      %gather3A_90 = tpu.dynamic_gather %get3A_59[%gather3A_89] in [0] : vector<16xi32>, vector<16xi32> -> vector<16xi32>
      %convert_element_type3A_91 = arith.sitofp %gather3A_90 : vector<16xi32> to vector<16xf32>
      %broadcast_in_dim3A_92 = arith.constant 7 : i32
      %broadcast_in_dim3A_93 = vector.broadcast %broadcast_in_dim3A_92 : i32 to vector<16x1xi32>
      %gather3A_94 = vector.shape_cast %broadcast_in_dim3A_93 : vector<16x1xi32> to vector<16xi32>
      %gather3A_95 = tpu.dynamic_gather %get3A_59[%gather3A_94] in [0] : vector<16xi32>, vector<16xi32> -> vector<16xi32>
      %convert_element_type3A_96 = arith.sitofp %gather3A_95 : vector<16xi32> to vector<16xf32>
      %broadcast_in_dim3A_97 = arith.constant 8 : i32
      %broadcast_in_dim3A_98 = vector.broadcast %broadcast_in_dim3A_97 : i32 to vector<16x1xi32>
      %gather3A_99 = vector.shape_cast %broadcast_in_dim3A_98 : vector<16x1xi32> to vector<16xi32>
      %gather3A_100 = tpu.dynamic_gather %get3A_59[%gather3A_99] in [0] : vector<16xi32>, vector<16xi32> -> vector<16xi32>
      %convert_element_type3A_101 = arith.sitofp %gather3A_100 : vector<16xi32> to vector<16xf32>
      %broadcast_in_dim3A_102 = arith.constant 9 : i32
      %broadcast_in_dim3A_103 = vector.broadcast %broadcast_in_dim3A_102 : i32 to vector<16x1xi32>
      %gather3A_104 = vector.shape_cast %broadcast_in_dim3A_103 : vector<16x1xi32> to vector<16xi32>
      %gather3A_105 = tpu.dynamic_gather %get3A_59[%gather3A_104] in [0] : vector<16xi32>, vector<16xi32> -> vector<16xi32>
      %convert_element_type3A_106 = arith.sitofp %gather3A_105 : vector<16xi32> to vector<16xf32>
      %broadcast_in_dim3A_107 = arith.constant 10 : i32
      %broadcast_in_dim3A_108 = vector.broadcast %broadcast_in_dim3A_107 : i32 to vector<16x1xi32>
      %gather3A_109 = vector.shape_cast %broadcast_in_dim3A_108 : vector<16x1xi32> to vector<16xi32>
      %gather3A_110 = tpu.dynamic_gather %get3A_59[%gather3A_109] in [0] : vector<16xi32>, vector<16xi32> -> vector<16xi32>
      %convert_element_type3A_111 = arith.sitofp %gather3A_110 : vector<16xi32> to vector<16xf32>
      %broadcast_in_dim3A_112 = arith.constant 11 : i32
      %broadcast_in_dim3A_113 = vector.broadcast %broadcast_in_dim3A_112 : i32 to vector<16x1xi32>
      %gather3A_114 = vector.shape_cast %broadcast_in_dim3A_113 : vector<16x1xi32> to vector<16xi32>
      %gather3A_115 = tpu.dynamic_gather %get3A_59[%gather3A_114] in [0] : vector<16xi32>, vector<16xi32> -> vector<16xi32>
      %convert_element_type3A_116 = arith.sitofp %gather3A_115 : vector<16xi32> to vector<16xf32>
      %broadcast_in_dim3A_117 = arith.constant 12 : i32
      %broadcast_in_dim3A_118 = vector.broadcast %broadcast_in_dim3A_117 : i32 to vector<16x1xi32>
      %gather3A_119 = vector.shape_cast %broadcast_in_dim3A_118 : vector<16x1xi32> to vector<16xi32>
      %gather3A_120 = tpu.dynamic_gather %get3A_59[%gather3A_119] in [0] : vector<16xi32>, vector<16xi32> -> vector<16xi32>
      %convert_element_type3A_121 = arith.sitofp %gather3A_120 : vector<16xi32> to vector<16xf32>
      %broadcast_in_dim3A_122 = arith.constant 13 : i32
      %broadcast_in_dim3A_123 = vector.broadcast %broadcast_in_dim3A_122 : i32 to vector<16x1xi32>
      %gather3A_124 = vector.shape_cast %broadcast_in_dim3A_123 : vector<16x1xi32> to vector<16xi32>
      %gather3A_125 = tpu.dynamic_gather %get3A_59[%gather3A_124] in [0] : vector<16xi32>, vector<16xi32> -> vector<16xi32>
      %convert_element_type3A_126 = arith.sitofp %gather3A_125 : vector<16xi32> to vector<16xf32>
      %broadcast_in_dim3A_127 = arith.constant 14 : i32
      %broadcast_in_dim3A_128 = vector.broadcast %broadcast_in_dim3A_127 : i32 to vector<16x1xi32>
      %gather3A_129 = vector.shape_cast %broadcast_in_dim3A_128 : vector<16x1xi32> to vector<16xi32>
      %gather3A_130 = tpu.dynamic_gather %get3A_59[%gather3A_129] in [0] : vector<16xi32>, vector<16xi32> -> vector<16xi32>
      %convert_element_type3A_131 = arith.sitofp %gather3A_130 : vector<16xi32> to vector<16xf32>
      %broadcast_in_dim3A_132 = arith.constant 15 : i32
      %broadcast_in_dim3A_133 = vector.broadcast %broadcast_in_dim3A_132 : i32 to vector<16x1xi32>
      %gather3A_134 = vector.shape_cast %broadcast_in_dim3A_133 : vector<16x1xi32> to vector<16xi32>
      %gather3A_135 = tpu.dynamic_gather %get3A_59[%gather3A_134] in [0] : vector<16xi32>, vector<16xi32> -> vector<16xi32>
      %convert_element_type3A_136 = arith.sitofp %gather3A_135 : vector<16xi32> to vector<16xf32>
      %gt3A = arith.constant 0 : i32
      %gt3A_137 = arith.cmpi sgt, %scan3A_51, %gt3A : i32
      %convert_element_type3A_138 = arith.extui %gt3A_137 : i1 to i32
      %cond3A = arith.constant 0 : i32
      %cond3A_139 = arith.cmpi ne, %convert_element_type3A_138, %cond3A : i32
      scf.if %cond3A_139 {
        %dma_wait3A_290 = arith.constant 0 : i32
        %dma_wait3A_291 = arith.constant 0 : i32
        %dma_wait3A_292 = arith.constant 0 : i32
        %dma_wait3A_293 = tpu.memref_slice %arg7[%dma_wait3A_290, %dma_wait3A_291, %dma_wait3A_292] : memref<2x16x1024xf32, #tpu.memory_space<vmem>> -> memref<1x16x1024xf32, #tpu.memory_space<vmem>>
        %dma_wait3A_294 = tpu.memref_squeeze %dma_wait3A_293 : memref<1x16x1024xf32, #tpu.memory_space<vmem>> -> memref<16x1024xf32, #tpu.memory_space<vmem>>
        %dma_wait3A_295 = arith.constant 0 : i32
        %dma_wait3A_296 = arith.constant 0 : i32
        %dma_wait3A_297 = tpu.memref_slice %arg4[%div3A_1, %dma_wait3A_295, %dma_wait3A_296] : memref<4x8192x1024xf32, #tpu.memory_space<hbm>> -> memref<1x8192x1024xf32, #tpu.memory_space<hbm>>
        %dma_wait3A_298 = tpu.memref_squeeze %dma_wait3A_297 : memref<1x8192x1024xf32, #tpu.memory_space<hbm>> -> memref<8192x1024xf32, #tpu.memory_space<hbm>>
        %dma_wait3A_299 = arith.constant 0 : i32
        %dma_wait3A_300 = tpu.memref_slice %dma_wait3A_298[%mul3A_4, %dma_wait3A_299] : memref<8192x1024xf32, #tpu.memory_space<hbm>> -> memref<16x1024xf32, #tpu.memory_space<hbm>>
        %dma_wait3A_301 = arith.constant 0 : i32
        %dma_wait3A_302 = arith.constant 0 : i32
        %dma_wait3A_303 = tpu.memref_slice %arg7[%dma_wait3A_290, %dma_wait3A_301, %dma_wait3A_302] : memref<2x16x1024xf32, #tpu.memory_space<vmem>> -> memref<1x16x1024xf32, #tpu.memory_space<vmem>>
        %dma_wait3A_304 = tpu.memref_squeeze %dma_wait3A_303 : memref<1x16x1024xf32, #tpu.memory_space<vmem>> -> memref<16x1024xf32, #tpu.memory_space<vmem>>
        %dma_wait3A_305 = arith.constant 0 : i32
        %dma_wait3A_306 = arith.constant 0 : i32
        %dma_wait3A_307 = tpu.memref_slice %arg4[%div3A_1, %dma_wait3A_305, %dma_wait3A_306] : memref<4x8192x1024xf32, #tpu.memory_space<hbm>> -> memref<1x8192x1024xf32, #tpu.memory_space<hbm>>
        %dma_wait3A_308 = tpu.memref_squeeze %dma_wait3A_307 : memref<1x8192x1024xf32, #tpu.memory_space<hbm>> -> memref<8192x1024xf32, #tpu.memory_space<hbm>>
        %dma_wait3A_309 = arith.constant 0 : i32
        %dma_wait3A_310 = tpu.memref_slice %dma_wait3A_308[%mul3A_4, %dma_wait3A_309] : memref<8192x1024xf32, #tpu.memory_space<hbm>> -> memref<16x1024xf32, #tpu.memory_space<hbm>>
        tpu.wait_dma2 semaphore(%arg8 : memref<!tpu.dma_semaphore, #tpu.memory_space<semaphore_mem>>) src(%dma_wait3A_310 : memref<16x1024xf32, #tpu.memory_space<hbm>>) dst(%dma_wait3A_304 : memref<16x1024xf32, #tpu.memory_space<vmem>>)
      } else {
      }
      %scan3A_140 = arith.constant 0 : i32
      %scan3A_141 = arith.constant 0 : i32
      %scan3A_142 = arith.constant 64 : i32
      %scan3A_143 = arith.addi %scan3A_141, %scan3A_142 : i32
      %scan3A_144 = arith.constant 1 : i32
      scf.for %scan3A_290 = %scan3A_141 to %scan3A_143 step %scan3A_144  : i32 {
        %mul3A_291 = arith.constant 16 : i32
        %mul3A_292 = arith.muli %scan3A_290, %mul3A_291 : i32
        %multiple_of3A_293 = tpu.assume_multiple %mul3A_292, 16 : i32
        %get3A_294 = arith.constant 0 : i32
        %get3A_295 = arith.constant 0 : i32
        %get3A_296 = tpu.memref_slice %arg6[%get3A_294, %get3A_295] : memref<2x1024xf32, #tpu.memory_space<vmem>> -> memref<1x1024xf32, #tpu.memory_space<vmem>>
        %get3A_297 = tpu.memref_squeeze %get3A_296 : memref<1x1024xf32, #tpu.memory_space<vmem>> -> memref<1024xf32, #tpu.memory_space<vmem>>
        %get3A_298 = arith.index_cast %multiple_of3A_293 : i32 to index
        %get3A_299 = tpu.vector_load %get3A_297[%get3A_298] {strides = array<i32>} : memref<1024xf32, #tpu.memory_space<vmem>>, vector<16xf32>,
        %get3A_300 = vector.shape_cast %get3A_299 : vector<16xf32> to vector<16xf32>
        %get3A_301 = arith.constant 1 : i32
        %get3A_302 = arith.constant 0 : i32
        %get3A_303 = tpu.memref_slice %arg6[%get3A_301, %get3A_302] : memref<2x1024xf32, #tpu.memory_space<vmem>> -> memref<1x1024xf32, #tpu.memory_space<vmem>>
        %get3A_304 = tpu.memref_squeeze %get3A_303 : memref<1x1024xf32, #tpu.memory_space<vmem>> -> memref<1024xf32, #tpu.memory_space<vmem>>
        %get3A_305 = arith.index_cast %multiple_of3A_293 : i32 to index
        %get3A_306 = tpu.vector_load %get3A_304[%get3A_305] {strides = array<i32>} : memref<1024xf32, #tpu.memory_space<vmem>>, vector<16xf32>,
        %get3A_307 = vector.shape_cast %get3A_306 : vector<16xf32> to vector<16xf32>
        %sub3A = arith.subf %get3A_307, %get3A_300 : vector<16xf32>
        %mul3A_308 = arith.mulf %convert_element_type3A, %sub3A : vector<16xf32>
        %add3A_309 = arith.addf %get3A_300, %mul3A_308 : vector<16xf32>
        %swap3A = arith.constant 0 : i32
        %swap3A_310 = arith.constant 0 : i32
        %swap3A_311 = arith.constant 0 : i32
        %swap3A_312 = arith.constant 0 : i32
        %swap3A_313 = tpu.memref_slice %arg7[%swap3A, %swap3A_311, %swap3A_312] : memref<2x16x1024xf32, #tpu.memory_space<vmem>> -> memref<1x16x1024xf32, #tpu.memory_space<vmem>>
        %swap3A_314 = tpu.memref_squeeze %swap3A_313 : memref<1x16x1024xf32, #tpu.memory_space<vmem>> -> memref<16x1024xf32, #tpu.memory_space<vmem>>
        %swap3A_315 = arith.constant 0 : i32
        %swap3A_316 = tpu.memref_slice %swap3A_314[%swap3A_310, %swap3A_315] : memref<16x1024xf32, #tpu.memory_space<vmem>> -> memref<1x1024xf32, #tpu.memory_space<vmem>>
        %swap3A_317 = tpu.memref_squeeze %swap3A_316 : memref<1x1024xf32, #tpu.memory_space<vmem>> -> memref<1024xf32, #tpu.memory_space<vmem>>
        %swap3A_318 = arith.index_cast %multiple_of3A_293 : i32 to index
        %swap3A_319 = tpu.vector_load %swap3A_317[%swap3A_318] {strides = array<i32>} : memref<1024xf32, #tpu.memory_space<vmem>>, vector<16xf32>,
        %swap3A_320 = vector.shape_cast %swap3A_319 : vector<16xf32> to vector<16xf32>
        %swap3A_321 = vector.shape_cast %add3A_309 : vector<16xf32> to vector<16xf32>
        tpu.vector_store %swap3A_317[%swap3A_318], %swap3A_321 {strides = array<i32>} : memref<1024xf32, #tpu.memory_space<vmem>>, vector<16xf32>,
        %mul3A_322 = arith.mulf %convert_element_type3A_66, %sub3A : vector<16xf32>
        %add3A_323 = arith.addf %get3A_300, %mul3A_322 : vector<16xf32>
        %swap3A_324 = arith.constant 0 : i32
        %swap3A_325 = arith.constant 1 : i32
        %swap3A_326 = arith.constant 0 : i32
        %swap3A_327 = arith.constant 0 : i32
        %swap3A_328 = tpu.memref_slice %arg7[%swap3A_324, %swap3A_326, %swap3A_327] : memref<2x16x1024xf32, #tpu.memory_space<vmem>> -> memref<1x16x1024xf32, #tpu.memory_space<vmem>>
        %swap3A_329 = tpu.memref_squeeze %swap3A_328 : memref<1x16x1024xf32, #tpu.memory_space<vmem>> -> memref<16x1024xf32, #tpu.memory_space<vmem>>
        %swap3A_330 = arith.constant 0 : i32
        %swap3A_331 = tpu.memref_slice %swap3A_329[%swap3A_325, %swap3A_330] : memref<16x1024xf32, #tpu.memory_space<vmem>> -> memref<1x1024xf32, #tpu.memory_space<vmem>>
        %swap3A_332 = tpu.memref_squeeze %swap3A_331 : memref<1x1024xf32, #tpu.memory_space<vmem>> -> memref<1024xf32, #tpu.memory_space<vmem>>
        %swap3A_333 = arith.index_cast %multiple_of3A_293 : i32 to index
        %swap3A_334 = tpu.vector_load %swap3A_332[%swap3A_333] {strides = array<i32>} : memref<1024xf32, #tpu.memory_space<vmem>>, vector<16xf32>,
        %swap3A_335 = vector.shape_cast %swap3A_334 : vector<16xf32> to vector<16xf32>
        %swap3A_336 = vector.shape_cast %add3A_323 : vector<16xf32> to vector<16xf32>
        tpu.vector_store %swap3A_332[%swap3A_333], %swap3A_336 {strides = array<i32>} : memref<1024xf32, #tpu.memory_space<vmem>>, vector<16xf32>,
        %mul3A_337 = arith.mulf %convert_element_type3A_71, %sub3A : vector<16xf32>
        %add3A_338 = arith.addf %get3A_300, %mul3A_337 : vector<16xf32>
        %swap3A_339 = arith.constant 0 : i32
        %swap3A_340 = arith.constant 2 : i32
        %swap3A_341 = arith.constant 0 : i32
        %swap3A_342 = arith.constant 0 : i32
        %swap3A_343 = tpu.memref_slice %arg7[%swap3A_339, %swap3A_341, %swap3A_342] : memref<2x16x1024xf32, #tpu.memory_space<vmem>> -> memref<1x16x1024xf32, #tpu.memory_space<vmem>>
        %swap3A_344 = tpu.memref_squeeze %swap3A_343 : memref<1x16x1024xf32, #tpu.memory_space<vmem>> -> memref<16x1024xf32, #tpu.memory_space<vmem>>
        %swap3A_345 = arith.constant 0 : i32
        %swap3A_346 = tpu.memref_slice %swap3A_344[%swap3A_340, %swap3A_345] : memref<16x1024xf32, #tpu.memory_space<vmem>> -> memref<1x1024xf32, #tpu.memory_space<vmem>>
        %swap3A_347 = tpu.memref_squeeze %swap3A_346 : memref<1x1024xf32, #tpu.memory_space<vmem>> -> memref<1024xf32, #tpu.memory_space<vmem>>
        %swap3A_348 = arith.index_cast %multiple_of3A_293 : i32 to index
        %swap3A_349 = tpu.vector_load %swap3A_347[%swap3A_348] {strides = array<i32>} : memref<1024xf32, #tpu.memory_space<vmem>>, vector<16xf32>,
        %swap3A_350 = vector.shape_cast %swap3A_349 : vector<16xf32> to vector<16xf32>
        %swap3A_351 = vector.shape_cast %add3A_338 : vector<16xf32> to vector<16xf32>
        tpu.vector_store %swap3A_347[%swap3A_348], %swap3A_351 {strides = array<i32>} : memref<1024xf32, #tpu.memory_space<vmem>>, vector<16xf32>,
        %mul3A_352 = arith.mulf %convert_element_type3A_76, %sub3A : vector<16xf32>
        %add3A_353 = arith.addf %get3A_300, %mul3A_352 : vector<16xf32>
        %swap3A_354 = arith.constant 0 : i32
        %swap3A_355 = arith.constant 3 : i32
        %swap3A_356 = arith.constant 0 : i32
        %swap3A_357 = arith.constant 0 : i32
        %swap3A_358 = tpu.memref_slice %arg7[%swap3A_354, %swap3A_356, %swap3A_357] : memref<2x16x1024xf32, #tpu.memory_space<vmem>> -> memref<1x16x1024xf32, #tpu.memory_space<vmem>>
        %swap3A_359 = tpu.memref_squeeze %swap3A_358 : memref<1x16x1024xf32, #tpu.memory_space<vmem>> -> memref<16x1024xf32, #tpu.memory_space<vmem>>
        %swap3A_360 = arith.constant 0 : i32
        %swap3A_361 = tpu.memref_slice %swap3A_359[%swap3A_355, %swap3A_360] : memref<16x1024xf32, #tpu.memory_space<vmem>> -> memref<1x1024xf32, #tpu.memory_space<vmem>>
        %swap3A_362 = tpu.memref_squeeze %swap3A_361 : memref<1x1024xf32, #tpu.memory_space<vmem>> -> memref<1024xf32, #tpu.memory_space<vmem>>
        %swap3A_363 = arith.index_cast %multiple_of3A_293 : i32 to index
        %swap3A_364 = tpu.vector_load %swap3A_362[%swap3A_363] {strides = array<i32>} : memref<1024xf32, #tpu.memory_space<vmem>>, vector<16xf32>,
        %swap3A_365 = vector.shape_cast %swap3A_364 : vector<16xf32> to vector<16xf32>
        %swap3A_366 = vector.shape_cast %add3A_353 : vector<16xf32> to vector<16xf32>
        tpu.vector_store %swap3A_362[%swap3A_363], %swap3A_366 {strides = array<i32>} : memref<1024xf32, #tpu.memory_space<vmem>>, vector<16xf32>,
        %mul3A_367 = arith.mulf %convert_element_type3A_81, %sub3A : vector<16xf32>
        %add3A_368 = arith.addf %get3A_300, %mul3A_367 : vector<16xf32>
        %swap3A_369 = arith.constant 0 : i32
        %swap3A_370 = arith.constant 4 : i32
        %swap3A_371 = arith.constant 0 : i32
        %swap3A_372 = arith.constant 0 : i32
        %swap3A_373 = tpu.memref_slice %arg7[%swap3A_369, %swap3A_371, %swap3A_372] : memref<2x16x1024xf32, #tpu.memory_space<vmem>> -> memref<1x16x1024xf32, #tpu.memory_space<vmem>>
        %swap3A_374 = tpu.memref_squeeze %swap3A_373 : memref<1x16x1024xf32, #tpu.memory_space<vmem>> -> memref<16x1024xf32, #tpu.memory_space<vmem>>
        %swap3A_375 = arith.constant 0 : i32
        %swap3A_376 = tpu.memref_slice %swap3A_374[%swap3A_370, %swap3A_375] : memref<16x1024xf32, #tpu.memory_space<vmem>> -> memref<1x1024xf32, #tpu.memory_space<vmem>>
        %swap3A_377 = tpu.memref_squeeze %swap3A_376 : memref<1x1024xf32, #tpu.memory_space<vmem>> -> memref<1024xf32, #tpu.memory_space<vmem>>
        %swap3A_378 = arith.index_cast %multiple_of3A_293 : i32 to index
        %swap3A_379 = tpu.vector_load %swap3A_377[%swap3A_378] {strides = array<i32>} : memref<1024xf32, #tpu.memory_space<vmem>>, vector<16xf32>,
        %swap3A_380 = vector.shape_cast %swap3A_379 : vector<16xf32> to vector<16xf32>
        %swap3A_381 = vector.shape_cast %add3A_368 : vector<16xf32> to vector<16xf32>
        tpu.vector_store %swap3A_377[%swap3A_378], %swap3A_381 {strides = array<i32>} : memref<1024xf32, #tpu.memory_space<vmem>>, vector<16xf32>,
        %mul3A_382 = arith.mulf %convert_element_type3A_86, %sub3A : vector<16xf32>
        %add3A_383 = arith.addf %get3A_300, %mul3A_382 : vector<16xf32>
        %swap3A_384 = arith.constant 0 : i32
        %swap3A_385 = arith.constant 5 : i32
        %swap3A_386 = arith.constant 0 : i32
        %swap3A_387 = arith.constant 0 : i32
        %swap3A_388 = tpu.memref_slice %arg7[%swap3A_384, %swap3A_386, %swap3A_387] : memref<2x16x1024xf32, #tpu.memory_space<vmem>> -> memref<1x16x1024xf32, #tpu.memory_space<vmem>>
        %swap3A_389 = tpu.memref_squeeze %swap3A_388 : memref<1x16x1024xf32, #tpu.memory_space<vmem>> -> memref<16x1024xf32, #tpu.memory_space<vmem>>
        %swap3A_390 = arith.constant 0 : i32
        %swap3A_391 = tpu.memref_slice %swap3A_389[%swap3A_385, %swap3A_390] : memref<16x1024xf32, #tpu.memory_space<vmem>> -> memref<1x1024xf32, #tpu.memory_space<vmem>>
        %swap3A_392 = tpu.memref_squeeze %swap3A_391 : memref<1x1024xf32, #tpu.memory_space<vmem>> -> memref<1024xf32, #tpu.memory_space<vmem>>
        %swap3A_393 = arith.index_cast %multiple_of3A_293 : i32 to index
        %swap3A_394 = tpu.vector_load %swap3A_392[%swap3A_393] {strides = array<i32>} : memref<1024xf32, #tpu.memory_space<vmem>>, vector<16xf32>,
        %swap3A_395 = vector.shape_cast %swap3A_394 : vector<16xf32> to vector<16xf32>
        %swap3A_396 = vector.shape_cast %add3A_383 : vector<16xf32> to vector<16xf32>
        tpu.vector_store %swap3A_392[%swap3A_393], %swap3A_396 {strides = array<i32>} : memref<1024xf32, #tpu.memory_space<vmem>>, vector<16xf32>,
        %mul3A_397 = arith.mulf %convert_element_type3A_91, %sub3A : vector<16xf32>
        %add3A_398 = arith.addf %get3A_300, %mul3A_397 : vector<16xf32>
        %swap3A_399 = arith.constant 0 : i32
        %swap3A_400 = arith.constant 6 : i32
        %swap3A_401 = arith.constant 0 : i32
        %swap3A_402 = arith.constant 0 : i32
        %swap3A_403 = tpu.memref_slice %arg7[%swap3A_399, %swap3A_401, %swap3A_402] : memref<2x16x1024xf32, #tpu.memory_space<vmem>> -> memref<1x16x1024xf32, #tpu.memory_space<vmem>>
        %swap3A_404 = tpu.memref_squeeze %swap3A_403 : memref<1x16x1024xf32, #tpu.memory_space<vmem>> -> memref<16x1024xf32, #tpu.memory_space<vmem>>
        %swap3A_405 = arith.constant 0 : i32
        %swap3A_406 = tpu.memref_slice %swap3A_404[%swap3A_400, %swap3A_405] : memref<16x1024xf32, #tpu.memory_space<vmem>> -> memref<1x1024xf32, #tpu.memory_space<vmem>>
        %swap3A_407 = tpu.memref_squeeze %swap3A_406 : memref<1x1024xf32, #tpu.memory_space<vmem>> -> memref<1024xf32, #tpu.memory_space<vmem>>
        %swap3A_408 = arith.index_cast %multiple_of3A_293 : i32 to index
        %swap3A_409 = tpu.vector_load %swap3A_407[%swap3A_408] {strides = array<i32>} : memref<1024xf32, #tpu.memory_space<vmem>>, vector<16xf32>,
        %swap3A_410 = vector.shape_cast %swap3A_409 : vector<16xf32> to vector<16xf32>
        %swap3A_411 = vector.shape_cast %add3A_398 : vector<16xf32> to vector<16xf32>
        tpu.vector_store %swap3A_407[%swap3A_408], %swap3A_411 {strides = array<i32>} : memref<1024xf32, #tpu.memory_space<vmem>>, vector<16xf32>,
        %mul3A_412 = arith.mulf %convert_element_type3A_96, %sub3A : vector<16xf32>
        %add3A_413 = arith.addf %get3A_300, %mul3A_412 : vector<16xf32>
        %swap3A_414 = arith.constant 0 : i32
        %swap3A_415 = arith.constant 7 : i32
        %swap3A_416 = arith.constant 0 : i32
        %swap3A_417 = arith.constant 0 : i32
        %swap3A_418 = tpu.memref_slice %arg7[%swap3A_414, %swap3A_416, %swap3A_417] : memref<2x16x1024xf32, #tpu.memory_space<vmem>> -> memref<1x16x1024xf32, #tpu.memory_space<vmem>>
        %swap3A_419 = tpu.memref_squeeze %swap3A_418 : memref<1x16x1024xf32, #tpu.memory_space<vmem>> -> memref<16x1024xf32, #tpu.memory_space<vmem>>
        %swap3A_420 = arith.constant 0 : i32
        %swap3A_421 = tpu.memref_slice %swap3A_419[%swap3A_415, %swap3A_420] : memref<16x1024xf32, #tpu.memory_space<vmem>> -> memref<1x1024xf32, #tpu.memory_space<vmem>>
        %swap3A_422 = tpu.memref_squeeze %swap3A_421 : memref<1x1024xf32, #tpu.memory_space<vmem>> -> memref<1024xf32, #tpu.memory_space<vmem>>
        %swap3A_423 = arith.index_cast %multiple_of3A_293 : i32 to index
        %swap3A_424 = tpu.vector_load %swap3A_422[%swap3A_423] {strides = array<i32>} : memref<1024xf32, #tpu.memory_space<vmem>>, vector<16xf32>,
        %swap3A_425 = vector.shape_cast %swap3A_424 : vector<16xf32> to vector<16xf32>
        %swap3A_426 = vector.shape_cast %add3A_413 : vector<16xf32> to vector<16xf32>
        tpu.vector_store %swap3A_422[%swap3A_423], %swap3A_426 {strides = array<i32>} : memref<1024xf32, #tpu.memory_space<vmem>>, vector<16xf32>,
        %mul3A_427 = arith.mulf %convert_element_type3A_101, %sub3A : vector<16xf32>
        %add3A_428 = arith.addf %get3A_300, %mul3A_427 : vector<16xf32>
        %swap3A_429 = arith.constant 0 : i32
        %swap3A_430 = arith.constant 8 : i32
        %swap3A_431 = arith.constant 0 : i32
        %swap3A_432 = arith.constant 0 : i32
        %swap3A_433 = tpu.memref_slice %arg7[%swap3A_429, %swap3A_431, %swap3A_432] : memref<2x16x1024xf32, #tpu.memory_space<vmem>> -> memref<1x16x1024xf32, #tpu.memory_space<vmem>>
        %swap3A_434 = tpu.memref_squeeze %swap3A_433 : memref<1x16x1024xf32, #tpu.memory_space<vmem>> -> memref<16x1024xf32, #tpu.memory_space<vmem>>
        %swap3A_435 = arith.constant 0 : i32
        %swap3A_436 = tpu.memref_slice %swap3A_434[%swap3A_430, %swap3A_435] : memref<16x1024xf32, #tpu.memory_space<vmem>> -> memref<1x1024xf32, #tpu.memory_space<vmem>>
        %swap3A_437 = tpu.memref_squeeze %swap3A_436 : memref<1x1024xf32, #tpu.memory_space<vmem>> -> memref<1024xf32, #tpu.memory_space<vmem>>
        %swap3A_438 = arith.index_cast %multiple_of3A_293 : i32 to index
        %swap3A_439 = tpu.vector_load %swap3A_437[%swap3A_438] {strides = array<i32>} : memref<1024xf32, #tpu.memory_space<vmem>>, vector<16xf32>,
        %swap3A_440 = vector.shape_cast %swap3A_439 : vector<16xf32> to vector<16xf32>
        %swap3A_441 = vector.shape_cast %add3A_428 : vector<16xf32> to vector<16xf32>
        tpu.vector_store %swap3A_437[%swap3A_438], %swap3A_441 {strides = array<i32>} : memref<1024xf32, #tpu.memory_space<vmem>>, vector<16xf32>,
        %mul3A_442 = arith.mulf %convert_element_type3A_106, %sub3A : vector<16xf32>
        %add3A_443 = arith.addf %get3A_300, %mul3A_442 : vector<16xf32>
        %swap3A_444 = arith.constant 0 : i32
        %swap3A_445 = arith.constant 9 : i32
        %swap3A_446 = arith.constant 0 : i32
        %swap3A_447 = arith.constant 0 : i32
        %swap3A_448 = tpu.memref_slice %arg7[%swap3A_444, %swap3A_446, %swap3A_447] : memref<2x16x1024xf32, #tpu.memory_space<vmem>> -> memref<1x16x1024xf32, #tpu.memory_space<vmem>>
        %swap3A_449 = tpu.memref_squeeze %swap3A_448 : memref<1x16x1024xf32, #tpu.memory_space<vmem>> -> memref<16x1024xf32, #tpu.memory_space<vmem>>
        %swap3A_450 = arith.constant 0 : i32
        %swap3A_451 = tpu.memref_slice %swap3A_449[%swap3A_445, %swap3A_450] : memref<16x1024xf32, #tpu.memory_space<vmem>> -> memref<1x1024xf32, #tpu.memory_space<vmem>>
        %swap3A_452 = tpu.memref_squeeze %swap3A_451 : memref<1x1024xf32, #tpu.memory_space<vmem>> -> memref<1024xf32, #tpu.memory_space<vmem>>
        %swap3A_453 = arith.index_cast %multiple_of3A_293 : i32 to index
        %swap3A_454 = tpu.vector_load %swap3A_452[%swap3A_453] {strides = array<i32>} : memref<1024xf32, #tpu.memory_space<vmem>>, vector<16xf32>,
        %swap3A_455 = vector.shape_cast %swap3A_454 : vector<16xf32> to vector<16xf32>
        %swap3A_456 = vector.shape_cast %add3A_443 : vector<16xf32> to vector<16xf32>
        tpu.vector_store %swap3A_452[%swap3A_453], %swap3A_456 {strides = array<i32>} : memref<1024xf32, #tpu.memory_space<vmem>>, vector<16xf32>,
        %mul3A_457 = arith.mulf %convert_element_type3A_111, %sub3A : vector<16xf32>
        %add3A_458 = arith.addf %get3A_300, %mul3A_457 : vector<16xf32>
        %swap3A_459 = arith.constant 0 : i32
        %swap3A_460 = arith.constant 10 : i32
        %swap3A_461 = arith.constant 0 : i32
        %swap3A_462 = arith.constant 0 : i32
        %swap3A_463 = tpu.memref_slice %arg7[%swap3A_459, %swap3A_461, %swap3A_462] : memref<2x16x1024xf32, #tpu.memory_space<vmem>> -> memref<1x16x1024xf32, #tpu.memory_space<vmem>>
        %swap3A_464 = tpu.memref_squeeze %swap3A_463 : memref<1x16x1024xf32, #tpu.memory_space<vmem>> -> memref<16x1024xf32, #tpu.memory_space<vmem>>
        %swap3A_465 = arith.constant 0 : i32
        %swap3A_466 = tpu.memref_slice %swap3A_464[%swap3A_460, %swap3A_465] : memref<16x1024xf32, #tpu.memory_space<vmem>> -> memref<1x1024xf32, #tpu.memory_space<vmem>>
        %swap3A_467 = tpu.memref_squeeze %swap3A_466 : memref<1x1024xf32, #tpu.memory_space<vmem>> -> memref<1024xf32, #tpu.memory_space<vmem>>
        %swap3A_468 = arith.index_cast %multiple_of3A_293 : i32 to index
        %swap3A_469 = tpu.vector_load %swap3A_467[%swap3A_468] {strides = array<i32>} : memref<1024xf32, #tpu.memory_space<vmem>>, vector<16xf32>,
        %swap3A_470 = vector.shape_cast %swap3A_469 : vector<16xf32> to vector<16xf32>
        %swap3A_471 = vector.shape_cast %add3A_458 : vector<16xf32> to vector<16xf32>
        tpu.vector_store %swap3A_467[%swap3A_468], %swap3A_471 {strides = array<i32>} : memref<1024xf32, #tpu.memory_space<vmem>>, vector<16xf32>,
        %mul3A_472 = arith.mulf %convert_element_type3A_116, %sub3A : vector<16xf32>
        %add3A_473 = arith.addf %get3A_300, %mul3A_472 : vector<16xf32>
        %swap3A_474 = arith.constant 0 : i32
        %swap3A_475 = arith.constant 11 : i32
        %swap3A_476 = arith.constant 0 : i32
        %swap3A_477 = arith.constant 0 : i32
        %swap3A_478 = tpu.memref_slice %arg7[%swap3A_474, %swap3A_476, %swap3A_477] : memref<2x16x1024xf32, #tpu.memory_space<vmem>> -> memref<1x16x1024xf32, #tpu.memory_space<vmem>>
        %swap3A_479 = tpu.memref_squeeze %swap3A_478 : memref<1x16x1024xf32, #tpu.memory_space<vmem>> -> memref<16x1024xf32, #tpu.memory_space<vmem>>
        %swap3A_480 = arith.constant 0 : i32
        %swap3A_481 = tpu.memref_slice %swap3A_479[%swap3A_475, %swap3A_480] : memref<16x1024xf32, #tpu.memory_space<vmem>> -> memref<1x1024xf32, #tpu.memory_space<vmem>>
        %swap3A_482 = tpu.memref_squeeze %swap3A_481 : memref<1x1024xf32, #tpu.memory_space<vmem>> -> memref<1024xf32, #tpu.memory_space<vmem>>
        %swap3A_483 = arith.index_cast %multiple_of3A_293 : i32 to index
        %swap3A_484 = tpu.vector_load %swap3A_482[%swap3A_483] {strides = array<i32>} : memref<1024xf32, #tpu.memory_space<vmem>>, vector<16xf32>,
        %swap3A_485 = vector.shape_cast %swap3A_484 : vector<16xf32> to vector<16xf32>
        %swap3A_486 = vector.shape_cast %add3A_473 : vector<16xf32> to vector<16xf32>
        tpu.vector_store %swap3A_482[%swap3A_483], %swap3A_486 {strides = array<i32>} : memref<1024xf32, #tpu.memory_space<vmem>>, vector<16xf32>,
        %mul3A_487 = arith.mulf %convert_element_type3A_121, %sub3A : vector<16xf32>
        %add3A_488 = arith.addf %get3A_300, %mul3A_487 : vector<16xf32>
        %swap3A_489 = arith.constant 0 : i32
        %swap3A_490 = arith.constant 12 : i32
        %swap3A_491 = arith.constant 0 : i32
        %swap3A_492 = arith.constant 0 : i32
        %swap3A_493 = tpu.memref_slice %arg7[%swap3A_489, %swap3A_491, %swap3A_492] : memref<2x16x1024xf32, #tpu.memory_space<vmem>> -> memref<1x16x1024xf32, #tpu.memory_space<vmem>>
        %swap3A_494 = tpu.memref_squeeze %swap3A_493 : memref<1x16x1024xf32, #tpu.memory_space<vmem>> -> memref<16x1024xf32, #tpu.memory_space<vmem>>
        %swap3A_495 = arith.constant 0 : i32
        %swap3A_496 = tpu.memref_slice %swap3A_494[%swap3A_490, %swap3A_495] : memref<16x1024xf32, #tpu.memory_space<vmem>> -> memref<1x1024xf32, #tpu.memory_space<vmem>>
        %swap3A_497 = tpu.memref_squeeze %swap3A_496 : memref<1x1024xf32, #tpu.memory_space<vmem>> -> memref<1024xf32, #tpu.memory_space<vmem>>
        %swap3A_498 = arith.index_cast %multiple_of3A_293 : i32 to index
        %swap3A_499 = tpu.vector_load %swap3A_497[%swap3A_498] {strides = array<i32>} : memref<1024xf32, #tpu.memory_space<vmem>>, vector<16xf32>,
        %swap3A_500 = vector.shape_cast %swap3A_499 : vector<16xf32> to vector<16xf32>
        %swap3A_501 = vector.shape_cast %add3A_488 : vector<16xf32> to vector<16xf32>
        tpu.vector_store %swap3A_497[%swap3A_498], %swap3A_501 {strides = array<i32>} : memref<1024xf32, #tpu.memory_space<vmem>>, vector<16xf32>,
        %mul3A_502 = arith.mulf %convert_element_type3A_126, %sub3A : vector<16xf32>
        %add3A_503 = arith.addf %get3A_300, %mul3A_502 : vector<16xf32>
        %swap3A_504 = arith.constant 0 : i32
        %swap3A_505 = arith.constant 13 : i32
        %swap3A_506 = arith.constant 0 : i32
        %swap3A_507 = arith.constant 0 : i32
        %swap3A_508 = tpu.memref_slice %arg7[%swap3A_504, %swap3A_506, %swap3A_507] : memref<2x16x1024xf32, #tpu.memory_space<vmem>> -> memref<1x16x1024xf32, #tpu.memory_space<vmem>>
        %swap3A_509 = tpu.memref_squeeze %swap3A_508 : memref<1x16x1024xf32, #tpu.memory_space<vmem>> -> memref<16x1024xf32, #tpu.memory_space<vmem>>
        %swap3A_510 = arith.constant 0 : i32
        %swap3A_511 = tpu.memref_slice %swap3A_509[%swap3A_505, %swap3A_510] : memref<16x1024xf32, #tpu.memory_space<vmem>> -> memref<1x1024xf32, #tpu.memory_space<vmem>>
        %swap3A_512 = tpu.memref_squeeze %swap3A_511 : memref<1x1024xf32, #tpu.memory_space<vmem>> -> memref<1024xf32, #tpu.memory_space<vmem>>
        %swap3A_513 = arith.index_cast %multiple_of3A_293 : i32 to index
        %swap3A_514 = tpu.vector_load %swap3A_512[%swap3A_513] {strides = array<i32>} : memref<1024xf32, #tpu.memory_space<vmem>>, vector<16xf32>,
        %swap3A_515 = vector.shape_cast %swap3A_514 : vector<16xf32> to vector<16xf32>
        %swap3A_516 = vector.shape_cast %add3A_503 : vector<16xf32> to vector<16xf32>
        tpu.vector_store %swap3A_512[%swap3A_513], %swap3A_516 {strides = array<i32>} : memref<1024xf32, #tpu.memory_space<vmem>>, vector<16xf32>,
        %mul3A_517 = arith.mulf %convert_element_type3A_131, %sub3A : vector<16xf32>
        %add3A_518 = arith.addf %get3A_300, %mul3A_517 : vector<16xf32>
        %swap3A_519 = arith.constant 0 : i32
        %swap3A_520 = arith.constant 14 : i32
        %swap3A_521 = arith.constant 0 : i32
        %swap3A_522 = arith.constant 0 : i32
        %swap3A_523 = tpu.memref_slice %arg7[%swap3A_519, %swap3A_521, %swap3A_522] : memref<2x16x1024xf32, #tpu.memory_space<vmem>> -> memref<1x16x1024xf32, #tpu.memory_space<vmem>>
        %swap3A_524 = tpu.memref_squeeze %swap3A_523 : memref<1x16x1024xf32, #tpu.memory_space<vmem>> -> memref<16x1024xf32, #tpu.memory_space<vmem>>
        %swap3A_525 = arith.constant 0 : i32
        %swap3A_526 = tpu.memref_slice %swap3A_524[%swap3A_520, %swap3A_525] : memref<16x1024xf32, #tpu.memory_space<vmem>> -> memref<1x1024xf32, #tpu.memory_space<vmem>>
        %swap3A_527 = tpu.memref_squeeze %swap3A_526 : memref<1x1024xf32, #tpu.memory_space<vmem>> -> memref<1024xf32, #tpu.memory_space<vmem>>
        %swap3A_528 = arith.index_cast %multiple_of3A_293 : i32 to index
        %swap3A_529 = tpu.vector_load %swap3A_527[%swap3A_528] {strides = array<i32>} : memref<1024xf32, #tpu.memory_space<vmem>>, vector<16xf32>,
        %swap3A_530 = vector.shape_cast %swap3A_529 : vector<16xf32> to vector<16xf32>
        %swap3A_531 = vector.shape_cast %add3A_518 : vector<16xf32> to vector<16xf32>
        tpu.vector_store %swap3A_527[%swap3A_528], %swap3A_531 {strides = array<i32>} : memref<1024xf32, #tpu.memory_space<vmem>>, vector<16xf32>,
        %mul3A_532 = arith.mulf %convert_element_type3A_136, %sub3A : vector<16xf32>
        %add3A_533 = arith.addf %get3A_300, %mul3A_532 : vector<16xf32>
        %swap3A_534 = arith.constant 0 : i32
        %swap3A_535 = arith.constant 15 : i32
        %swap3A_536 = arith.constant 0 : i32
        %swap3A_537 = arith.constant 0 : i32
        %swap3A_538 = tpu.memref_slice %arg7[%swap3A_534, %swap3A_536, %swap3A_537] : memref<2x16x1024xf32, #tpu.memory_space<vmem>> -> memref<1x16x1024xf32, #tpu.memory_space<vmem>>
        %swap3A_539 = tpu.memref_squeeze %swap3A_538 : memref<1x16x1024xf32, #tpu.memory_space<vmem>> -> memref<16x1024xf32, #tpu.memory_space<vmem>>
        %swap3A_540 = arith.constant 0 : i32
        %swap3A_541 = tpu.memref_slice %swap3A_539[%swap3A_535, %swap3A_540] : memref<16x1024xf32, #tpu.memory_space<vmem>> -> memref<1x1024xf32, #tpu.memory_space<vmem>>
        %swap3A_542 = tpu.memref_squeeze %swap3A_541 : memref<1x1024xf32, #tpu.memory_space<vmem>> -> memref<1024xf32, #tpu.memory_space<vmem>>
        %swap3A_543 = arith.index_cast %multiple_of3A_293 : i32 to index
        %swap3A_544 = tpu.vector_load %swap3A_542[%swap3A_543] {strides = array<i32>} : memref<1024xf32, #tpu.memory_space<vmem>>, vector<16xf32>,
        %swap3A_545 = vector.shape_cast %swap3A_544 : vector<16xf32> to vector<16xf32>
        %swap3A_546 = vector.shape_cast %add3A_533 : vector<16xf32> to vector<16xf32>
        tpu.vector_store %swap3A_542[%swap3A_543], %swap3A_546 {strides = array<i32>} : memref<1024xf32, #tpu.memory_space<vmem>>, vector<16xf32>,
      }
      %scan3A_145 = arith.constant 64 : i32
      %add3A_146 = arith.addi %mul3A_4, %multiple_of3A : i32
      %dma_start3A = arith.constant 0 : i32
      %dma_start3A_147 = arith.constant 0 : i32
      %dma_start3A_148 = arith.constant 0 : i32
      %dma_start3A_149 = tpu.memref_slice %arg7[%dma_start3A, %dma_start3A_147, %dma_start3A_148] : memref<2x16x1024xf32, #tpu.memory_space<vmem>> -> memref<1x16x1024xf32, #tpu.memory_space<vmem>>
      %dma_start3A_150 = tpu.memref_squeeze %dma_start3A_149 : memref<1x16x1024xf32, #tpu.memory_space<vmem>> -> memref<16x1024xf32, #tpu.memory_space<vmem>>
      %dma_start3A_151 = arith.constant 0 : i32
      %dma_start3A_152 = arith.constant 0 : i32
      %dma_start3A_153 = tpu.memref_slice %arg4[%div3A_1, %dma_start3A_151, %dma_start3A_152] : memref<4x8192x1024xf32, #tpu.memory_space<hbm>> -> memref<1x8192x1024xf32, #tpu.memory_space<hbm>>
      %dma_start3A_154 = tpu.memref_squeeze %dma_start3A_153 : memref<1x8192x1024xf32, #tpu.memory_space<hbm>> -> memref<8192x1024xf32, #tpu.memory_space<hbm>>
      %dma_start3A_155 = arith.constant 0 : i32
      %dma_start3A_156 = tpu.memref_slice %dma_start3A_154[%add3A_146, %dma_start3A_155] : memref<8192x1024xf32, #tpu.memory_space<hbm>> -> memref<16x1024xf32, #tpu.memory_space<hbm>>
      %dma_start3A_157 = arith.constant 0 : i32
      %dma_start3A_158 = arith.constant 0 : i32
      %dma_start3A_159 = tpu.memref_slice %arg4[%div3A_1, %dma_start3A_157, %dma_start3A_158] : memref<4x8192x1024xf32, #tpu.memory_space<hbm>> -> memref<1x8192x1024xf32, #tpu.memory_space<hbm>>
      %dma_start3A_160 = tpu.memref_squeeze %dma_start3A_159 : memref<1x8192x1024xf32, #tpu.memory_space<hbm>> -> memref<8192x1024xf32, #tpu.memory_space<hbm>>
      %dma_start3A_161 = arith.constant 0 : i32
      %dma_start3A_162 = tpu.memref_slice %dma_start3A_160[%add3A_146, %dma_start3A_161] : memref<8192x1024xf32, #tpu.memory_space<hbm>> -> memref<16x1024xf32, #tpu.memory_space<hbm>>
      %dma_start3A_163 = arith.constant 0 : i32
      %dma_start3A_164 = arith.constant 0 : i32
      %dma_start3A_165 = tpu.memref_slice %arg7[%dma_start3A, %dma_start3A_163, %dma_start3A_164] : memref<2x16x1024xf32, #tpu.memory_space<vmem>> -> memref<1x16x1024xf32, #tpu.memory_space<vmem>>
      %dma_start3A_166 = tpu.memref_squeeze %dma_start3A_165 : memref<1x16x1024xf32, #tpu.memory_space<vmem>> -> memref<16x1024xf32, #tpu.memory_space<vmem>>
      tpu.enqueue_dma source(%dma_start3A_166 : memref<16x1024xf32, #tpu.memory_space<vmem>>) target(%dma_start3A_162 : memref<16x1024xf32, #tpu.memory_space<hbm>>) target_semaphore(%arg8 : memref<!tpu.dma_semaphore, #tpu.memory_space<semaphore_mem>>)
      %mul3A_167 = arith.constant 2 : i32
      %mul3A_168 = arith.muli %scan3A_51, %mul3A_167 : i32
      %add3A_169 = arith.constant 1 : i32
      %add3A_170 = arith.addi %mul3A_168, %add3A_169 : i32
      %mul3A_171 = arith.constant 16 : i32
      %mul3A_172 = arith.muli %add3A_170, %mul3A_171 : i32
      %multiple_of3A_173 = tpu.assume_multiple %mul3A_172, 16 : i32
      %get3A_174 = arith.index_cast %multiple_of3A_173 : i32 to index
      %get3A_175 = tpu.vector_load %arg5[%get3A_174] {strides = array<i32>} : memref<512xi32, #tpu.memory_space<vmem>>, vector<16xi32>,
      %get3A_176 = vector.shape_cast %get3A_175 : vector<16xi32> to vector<16xi32>
      %broadcast_in_dim3A_177 = arith.constant 0 : i32
      %broadcast_in_dim3A_178 = vector.broadcast %broadcast_in_dim3A_177 : i32 to vector<16x1xi32>
      %gather3A_179 = vector.shape_cast %broadcast_in_dim3A_178 : vector<16x1xi32> to vector<16xi32>
      %gather3A_180 = tpu.dynamic_gather %get3A_176[%gather3A_179] in [0] : vector<16xi32>, vector<16xi32> -> vector<16xi32>
      %convert_element_type3A_181 = arith.sitofp %gather3A_180 : vector<16xi32> to vector<16xf32>
      %broadcast_in_dim3A_182 = arith.constant 1 : i32
      %broadcast_in_dim3A_183 = vector.broadcast %broadcast_in_dim3A_182 : i32 to vector<16x1xi32>
      %gather3A_184 = vector.shape_cast %broadcast_in_dim3A_183 : vector<16x1xi32> to vector<16xi32>
      %gather3A_185 = tpu.dynamic_gather %get3A_176[%gather3A_184] in [0] : vector<16xi32>, vector<16xi32> -> vector<16xi32>
      %convert_element_type3A_186 = arith.sitofp %gather3A_185 : vector<16xi32> to vector<16xf32>
      %broadcast_in_dim3A_187 = arith.constant 2 : i32
      %broadcast_in_dim3A_188 = vector.broadcast %broadcast_in_dim3A_187 : i32 to vector<16x1xi32>
      %gather3A_189 = vector.shape_cast %broadcast_in_dim3A_188 : vector<16x1xi32> to vector<16xi32>
      %gather3A_190 = tpu.dynamic_gather %get3A_176[%gather3A_189] in [0] : vector<16xi32>, vector<16xi32> -> vector<16xi32>
      %convert_element_type3A_191 = arith.sitofp %gather3A_190 : vector<16xi32> to vector<16xf32>
      %broadcast_in_dim3A_192 = arith.constant 3 : i32
      %broadcast_in_dim3A_193 = vector.broadcast %broadcast_in_dim3A_192 : i32 to vector<16x1xi32>
      %gather3A_194 = vector.shape_cast %broadcast_in_dim3A_193 : vector<16x1xi32> to vector<16xi32>
      %gather3A_195 = tpu.dynamic_gather %get3A_176[%gather3A_194] in [0] : vector<16xi32>, vector<16xi32> -> vector<16xi32>
      %convert_element_type3A_196 = arith.sitofp %gather3A_195 : vector<16xi32> to vector<16xf32>
      %broadcast_in_dim3A_197 = arith.constant 4 : i32
      %broadcast_in_dim3A_198 = vector.broadcast %broadcast_in_dim3A_197 : i32 to vector<16x1xi32>
      %gather3A_199 = vector.shape_cast %broadcast_in_dim3A_198 : vector<16x1xi32> to vector<16xi32>
      %gather3A_200 = tpu.dynamic_gather %get3A_176[%gather3A_199] in [0] : vector<16xi32>, vector<16xi32> -> vector<16xi32>
      %convert_element_type3A_201 = arith.sitofp %gather3A_200 : vector<16xi32> to vector<16xf32>
      %broadcast_in_dim3A_202 = arith.constant 5 : i32
      %broadcast_in_dim3A_203 = vector.broadcast %broadcast_in_dim3A_202 : i32 to vector<16x1xi32>
      %gather3A_204 = vector.shape_cast %broadcast_in_dim3A_203 : vector<16x1xi32> to vector<16xi32>
      %gather3A_205 = tpu.dynamic_gather %get3A_176[%gather3A_204] in [0] : vector<16xi32>, vector<16xi32> -> vector<16xi32>
      %convert_element_type3A_206 = arith.sitofp %gather3A_205 : vector<16xi32> to vector<16xf32>
      %broadcast_in_dim3A_207 = arith.constant 6 : i32
      %broadcast_in_dim3A_208 = vector.broadcast %broadcast_in_dim3A_207 : i32 to vector<16x1xi32>
      %gather3A_209 = vector.shape_cast %broadcast_in_dim3A_208 : vector<16x1xi32> to vector<16xi32>
      %gather3A_210 = tpu.dynamic_gather %get3A_176[%gather3A_209] in [0] : vector<16xi32>, vector<16xi32> -> vector<16xi32>
      %convert_element_type3A_211 = arith.sitofp %gather3A_210 : vector<16xi32> to vector<16xf32>
      %broadcast_in_dim3A_212 = arith.constant 7 : i32
      %broadcast_in_dim3A_213 = vector.broadcast %broadcast_in_dim3A_212 : i32 to vector<16x1xi32>
      %gather3A_214 = vector.shape_cast %broadcast_in_dim3A_213 : vector<16x1xi32> to vector<16xi32>
      %gather3A_215 = tpu.dynamic_gather %get3A_176[%gather3A_214] in [0] : vector<16xi32>, vector<16xi32> -> vector<16xi32>
      %convert_element_type3A_216 = arith.sitofp %gather3A_215 : vector<16xi32> to vector<16xf32>
      %broadcast_in_dim3A_217 = arith.constant 8 : i32
      %broadcast_in_dim3A_218 = vector.broadcast %broadcast_in_dim3A_217 : i32 to vector<16x1xi32>
      %gather3A_219 = vector.shape_cast %broadcast_in_dim3A_218 : vector<16x1xi32> to vector<16xi32>
      %gather3A_220 = tpu.dynamic_gather %get3A_176[%gather3A_219] in [0] : vector<16xi32>, vector<16xi32> -> vector<16xi32>
      %convert_element_type3A_221 = arith.sitofp %gather3A_220 : vector<16xi32> to vector<16xf32>
      %broadcast_in_dim3A_222 = arith.constant 9 : i32
      %broadcast_in_dim3A_223 = vector.broadcast %broadcast_in_dim3A_222 : i32 to vector<16x1xi32>
      %gather3A_224 = vector.shape_cast %broadcast_in_dim3A_223 : vector<16x1xi32> to vector<16xi32>
      %gather3A_225 = tpu.dynamic_gather %get3A_176[%gather3A_224] in [0] : vector<16xi32>, vector<16xi32> -> vector<16xi32>
      %convert_element_type3A_226 = arith.sitofp %gather3A_225 : vector<16xi32> to vector<16xf32>
      %broadcast_in_dim3A_227 = arith.constant 10 : i32
      %broadcast_in_dim3A_228 = vector.broadcast %broadcast_in_dim3A_227 : i32 to vector<16x1xi32>
      %gather3A_229 = vector.shape_cast %broadcast_in_dim3A_228 : vector<16x1xi32> to vector<16xi32>
      %gather3A_230 = tpu.dynamic_gather %get3A_176[%gather3A_229] in [0] : vector<16xi32>, vector<16xi32> -> vector<16xi32>
      %convert_element_type3A_231 = arith.sitofp %gather3A_230 : vector<16xi32> to vector<16xf32>
      %broadcast_in_dim3A_232 = arith.constant 11 : i32
      %broadcast_in_dim3A_233 = vector.broadcast %broadcast_in_dim3A_232 : i32 to vector<16x1xi32>
      %gather3A_234 = vector.shape_cast %broadcast_in_dim3A_233 : vector<16x1xi32> to vector<16xi32>
      %gather3A_235 = tpu.dynamic_gather %get3A_176[%gather3A_234] in [0] : vector<16xi32>, vector<16xi32> -> vector<16xi32>
      %convert_element_type3A_236 = arith.sitofp %gather3A_235 : vector<16xi32> to vector<16xf32>
      %broadcast_in_dim3A_237 = arith.constant 12 : i32
      %broadcast_in_dim3A_238 = vector.broadcast %broadcast_in_dim3A_237 : i32 to vector<16x1xi32>
      %gather3A_239 = vector.shape_cast %broadcast_in_dim3A_238 : vector<16x1xi32> to vector<16xi32>
      %gather3A_240 = tpu.dynamic_gather %get3A_176[%gather3A_239] in [0] : vector<16xi32>, vector<16xi32> -> vector<16xi32>
      %convert_element_type3A_241 = arith.sitofp %gather3A_240 : vector<16xi32> to vector<16xf32>
      %broadcast_in_dim3A_242 = arith.constant 13 : i32
      %broadcast_in_dim3A_243 = vector.broadcast %broadcast_in_dim3A_242 : i32 to vector<16x1xi32>
      %gather3A_244 = vector.shape_cast %broadcast_in_dim3A_243 : vector<16x1xi32> to vector<16xi32>
      %gather3A_245 = tpu.dynamic_gather %get3A_176[%gather3A_244] in [0] : vector<16xi32>, vector<16xi32> -> vector<16xi32>
      %convert_element_type3A_246 = arith.sitofp %gather3A_245 : vector<16xi32> to vector<16xf32>
      %broadcast_in_dim3A_247 = arith.constant 14 : i32
      %broadcast_in_dim3A_248 = vector.broadcast %broadcast_in_dim3A_247 : i32 to vector<16x1xi32>
      %gather3A_249 = vector.shape_cast %broadcast_in_dim3A_248 : vector<16x1xi32> to vector<16xi32>
      %gather3A_250 = tpu.dynamic_gather %get3A_176[%gather3A_249] in [0] : vector<16xi32>, vector<16xi32> -> vector<16xi32>
      %convert_element_type3A_251 = arith.sitofp %gather3A_250 : vector<16xi32> to vector<16xf32>
      %broadcast_in_dim3A_252 = arith.constant 15 : i32
      %broadcast_in_dim3A_253 = vector.broadcast %broadcast_in_dim3A_252 : i32 to vector<16x1xi32>
      %gather3A_254 = vector.shape_cast %broadcast_in_dim3A_253 : vector<16x1xi32> to vector<16xi32>
      %gather3A_255 = tpu.dynamic_gather %get3A_176[%gather3A_254] in [0] : vector<16xi32>, vector<16xi32> -> vector<16xi32>
      %convert_element_type3A_256 = arith.sitofp %gather3A_255 : vector<16xi32> to vector<16xf32>
      %gt3A_257 = arith.constant 0 : i32
      %gt3A_258 = arith.cmpi sgt, %scan3A_51, %gt3A_257 : i32
      %convert_element_type3A_259 = arith.extui %gt3A_258 : i1 to i32
      %cond3A_260 = arith.constant 0 : i32
      %cond3A_261 = arith.cmpi ne, %convert_element_type3A_259, %cond3A_260 : i32
      scf.if %cond3A_261 {
        %dma_wait3A_290 = arith.constant 0 : i32
        %dma_wait3A_291 = arith.constant 0 : i32
        %dma_wait3A_292 = arith.constant 0 : i32
        %dma_wait3A_293 = tpu.memref_slice %arg7[%dma_wait3A_290, %dma_wait3A_291, %dma_wait3A_292] : memref<2x16x1024xf32, #tpu.memory_space<vmem>> -> memref<1x16x1024xf32, #tpu.memory_space<vmem>>
        %dma_wait3A_294 = tpu.memref_squeeze %dma_wait3A_293 : memref<1x16x1024xf32, #tpu.memory_space<vmem>> -> memref<16x1024xf32, #tpu.memory_space<vmem>>
        %dma_wait3A_295 = arith.constant 0 : i32
        %dma_wait3A_296 = arith.constant 0 : i32
        %dma_wait3A_297 = tpu.memref_slice %arg4[%div3A_1, %dma_wait3A_295, %dma_wait3A_296] : memref<4x8192x1024xf32, #tpu.memory_space<hbm>> -> memref<1x8192x1024xf32, #tpu.memory_space<hbm>>
        %dma_wait3A_298 = tpu.memref_squeeze %dma_wait3A_297 : memref<1x8192x1024xf32, #tpu.memory_space<hbm>> -> memref<8192x1024xf32, #tpu.memory_space<hbm>>
        %dma_wait3A_299 = arith.constant 0 : i32
        %dma_wait3A_300 = tpu.memref_slice %dma_wait3A_298[%mul3A_4, %dma_wait3A_299] : memref<8192x1024xf32, #tpu.memory_space<hbm>> -> memref<16x1024xf32, #tpu.memory_space<hbm>>
        %dma_wait3A_301 = arith.constant 0 : i32
        %dma_wait3A_302 = arith.constant 0 : i32
        %dma_wait3A_303 = tpu.memref_slice %arg7[%dma_wait3A_290, %dma_wait3A_301, %dma_wait3A_302] : memref<2x16x1024xf32, #tpu.memory_space<vmem>> -> memref<1x16x1024xf32, #tpu.memory_space<vmem>>
        %dma_wait3A_304 = tpu.memref_squeeze %dma_wait3A_303 : memref<1x16x1024xf32, #tpu.memory_space<vmem>> -> memref<16x1024xf32, #tpu.memory_space<vmem>>
        %dma_wait3A_305 = arith.constant 0 : i32
        %dma_wait3A_306 = arith.constant 0 : i32
        %dma_wait3A_307 = tpu.memref_slice %arg4[%div3A_1, %dma_wait3A_305, %dma_wait3A_306] : memref<4x8192x1024xf32, #tpu.memory_space<hbm>> -> memref<1x8192x1024xf32, #tpu.memory_space<hbm>>
        %dma_wait3A_308 = tpu.memref_squeeze %dma_wait3A_307 : memref<1x8192x1024xf32, #tpu.memory_space<hbm>> -> memref<8192x1024xf32, #tpu.memory_space<hbm>>
        %dma_wait3A_309 = arith.constant 0 : i32
        %dma_wait3A_310 = tpu.memref_slice %dma_wait3A_308[%mul3A_4, %dma_wait3A_309] : memref<8192x1024xf32, #tpu.memory_space<hbm>> -> memref<16x1024xf32, #tpu.memory_space<hbm>>
        tpu.wait_dma2 semaphore(%arg8 : memref<!tpu.dma_semaphore, #tpu.memory_space<semaphore_mem>>) src(%dma_wait3A_310 : memref<16x1024xf32, #tpu.memory_space<hbm>>) dst(%dma_wait3A_304 : memref<16x1024xf32, #tpu.memory_space<vmem>>)
      } else {
      }
      %scan3A_262 = arith.constant 0 : i32
      %scan3A_263 = arith.constant 0 : i32
      %scan3A_264 = arith.constant 64 : i32
      %scan3A_265 = arith.addi %scan3A_263, %scan3A_264 : i32
      %scan3A_266 = arith.constant 1 : i32
      scf.for %scan3A_290 = %scan3A_263 to %scan3A_265 step %scan3A_266  : i32 {
        %mul3A_291 = arith.constant 16 : i32
        %mul3A_292 = arith.muli %scan3A_290, %mul3A_291 : i32
        %multiple_of3A_293 = tpu.assume_multiple %mul3A_292, 16 : i32
        %get3A_294 = arith.constant 0 : i32
        %get3A_295 = arith.constant 0 : i32
        %get3A_296 = tpu.memref_slice %arg6[%get3A_294, %get3A_295] : memref<2x1024xf32, #tpu.memory_space<vmem>> -> memref<1x1024xf32, #tpu.memory_space<vmem>>
        %get3A_297 = tpu.memref_squeeze %get3A_296 : memref<1x1024xf32, #tpu.memory_space<vmem>> -> memref<1024xf32, #tpu.memory_space<vmem>>
        %get3A_298 = arith.index_cast %multiple_of3A_293 : i32 to index
        %get3A_299 = tpu.vector_load %get3A_297[%get3A_298] {strides = array<i32>} : memref<1024xf32, #tpu.memory_space<vmem>>, vector<16xf32>,
        %get3A_300 = vector.shape_cast %get3A_299 : vector<16xf32> to vector<16xf32>
        %get3A_301 = arith.constant 1 : i32
        %get3A_302 = arith.constant 0 : i32
        %get3A_303 = tpu.memref_slice %arg6[%get3A_301, %get3A_302] : memref<2x1024xf32, #tpu.memory_space<vmem>> -> memref<1x1024xf32, #tpu.memory_space<vmem>>
        %get3A_304 = tpu.memref_squeeze %get3A_303 : memref<1x1024xf32, #tpu.memory_space<vmem>> -> memref<1024xf32, #tpu.memory_space<vmem>>
        %get3A_305 = arith.index_cast %multiple_of3A_293 : i32 to index
        %get3A_306 = tpu.vector_load %get3A_304[%get3A_305] {strides = array<i32>} : memref<1024xf32, #tpu.memory_space<vmem>>, vector<16xf32>,
        %get3A_307 = vector.shape_cast %get3A_306 : vector<16xf32> to vector<16xf32>
        %sub3A = arith.subf %get3A_307, %get3A_300 : vector<16xf32>
        %mul3A_308 = arith.mulf %convert_element_type3A_181, %sub3A : vector<16xf32>
        %add3A_309 = arith.addf %get3A_300, %mul3A_308 : vector<16xf32>
        %swap3A = arith.constant 1 : i32
        %swap3A_310 = arith.constant 0 : i32
        %swap3A_311 = arith.constant 0 : i32
        %swap3A_312 = arith.constant 0 : i32
        %swap3A_313 = tpu.memref_slice %arg7[%swap3A, %swap3A_311, %swap3A_312] : memref<2x16x1024xf32, #tpu.memory_space<vmem>> -> memref<1x16x1024xf32, #tpu.memory_space<vmem>>
        %swap3A_314 = tpu.memref_squeeze %swap3A_313 : memref<1x16x1024xf32, #tpu.memory_space<vmem>> -> memref<16x1024xf32, #tpu.memory_space<vmem>>
        %swap3A_315 = arith.constant 0 : i32
        %swap3A_316 = tpu.memref_slice %swap3A_314[%swap3A_310, %swap3A_315] : memref<16x1024xf32, #tpu.memory_space<vmem>> -> memref<1x1024xf32, #tpu.memory_space<vmem>>
        %swap3A_317 = tpu.memref_squeeze %swap3A_316 : memref<1x1024xf32, #tpu.memory_space<vmem>> -> memref<1024xf32, #tpu.memory_space<vmem>>
        %swap3A_318 = arith.index_cast %multiple_of3A_293 : i32 to index
        %swap3A_319 = tpu.vector_load %swap3A_317[%swap3A_318] {strides = array<i32>} : memref<1024xf32, #tpu.memory_space<vmem>>, vector<16xf32>,
        %swap3A_320 = vector.shape_cast %swap3A_319 : vector<16xf32> to vector<16xf32>
        %swap3A_321 = vector.shape_cast %add3A_309 : vector<16xf32> to vector<16xf32>
        tpu.vector_store %swap3A_317[%swap3A_318], %swap3A_321 {strides = array<i32>} : memref<1024xf32, #tpu.memory_space<vmem>>, vector<16xf32>,
        %mul3A_322 = arith.mulf %convert_element_type3A_186, %sub3A : vector<16xf32>
        %add3A_323 = arith.addf %get3A_300, %mul3A_322 : vector<16xf32>
        %swap3A_324 = arith.constant 1 : i32
        %swap3A_325 = arith.constant 1 : i32
        %swap3A_326 = arith.constant 0 : i32
        %swap3A_327 = arith.constant 0 : i32
        %swap3A_328 = tpu.memref_slice %arg7[%swap3A_324, %swap3A_326, %swap3A_327] : memref<2x16x1024xf32, #tpu.memory_space<vmem>> -> memref<1x16x1024xf32, #tpu.memory_space<vmem>>
        %swap3A_329 = tpu.memref_squeeze %swap3A_328 : memref<1x16x1024xf32, #tpu.memory_space<vmem>> -> memref<16x1024xf32, #tpu.memory_space<vmem>>
        %swap3A_330 = arith.constant 0 : i32
        %swap3A_331 = tpu.memref_slice %swap3A_329[%swap3A_325, %swap3A_330] : memref<16x1024xf32, #tpu.memory_space<vmem>> -> memref<1x1024xf32, #tpu.memory_space<vmem>>
        %swap3A_332 = tpu.memref_squeeze %swap3A_331 : memref<1x1024xf32, #tpu.memory_space<vmem>> -> memref<1024xf32, #tpu.memory_space<vmem>>
        %swap3A_333 = arith.index_cast %multiple_of3A_293 : i32 to index
        %swap3A_334 = tpu.vector_load %swap3A_332[%swap3A_333] {strides = array<i32>} : memref<1024xf32, #tpu.memory_space<vmem>>, vector<16xf32>,
        %swap3A_335 = vector.shape_cast %swap3A_334 : vector<16xf32> to vector<16xf32>
        %swap3A_336 = vector.shape_cast %add3A_323 : vector<16xf32> to vector<16xf32>
        tpu.vector_store %swap3A_332[%swap3A_333], %swap3A_336 {strides = array<i32>} : memref<1024xf32, #tpu.memory_space<vmem>>, vector<16xf32>,
        %mul3A_337 = arith.mulf %convert_element_type3A_191, %sub3A : vector<16xf32>
        %add3A_338 = arith.addf %get3A_300, %mul3A_337 : vector<16xf32>
        %swap3A_339 = arith.constant 1 : i32
        %swap3A_340 = arith.constant 2 : i32
        %swap3A_341 = arith.constant 0 : i32
        %swap3A_342 = arith.constant 0 : i32
        %swap3A_343 = tpu.memref_slice %arg7[%swap3A_339, %swap3A_341, %swap3A_342] : memref<2x16x1024xf32, #tpu.memory_space<vmem>> -> memref<1x16x1024xf32, #tpu.memory_space<vmem>>
        %swap3A_344 = tpu.memref_squeeze %swap3A_343 : memref<1x16x1024xf32, #tpu.memory_space<vmem>> -> memref<16x1024xf32, #tpu.memory_space<vmem>>
        %swap3A_345 = arith.constant 0 : i32
        %swap3A_346 = tpu.memref_slice %swap3A_344[%swap3A_340, %swap3A_345] : memref<16x1024xf32, #tpu.memory_space<vmem>> -> memref<1x1024xf32, #tpu.memory_space<vmem>>
        %swap3A_347 = tpu.memref_squeeze %swap3A_346 : memref<1x1024xf32, #tpu.memory_space<vmem>> -> memref<1024xf32, #tpu.memory_space<vmem>>
        %swap3A_348 = arith.index_cast %multiple_of3A_293 : i32 to index
        %swap3A_349 = tpu.vector_load %swap3A_347[%swap3A_348] {strides = array<i32>} : memref<1024xf32, #tpu.memory_space<vmem>>, vector<16xf32>,
        %swap3A_350 = vector.shape_cast %swap3A_349 : vector<16xf32> to vector<16xf32>
        %swap3A_351 = vector.shape_cast %add3A_338 : vector<16xf32> to vector<16xf32>
        tpu.vector_store %swap3A_347[%swap3A_348], %swap3A_351 {strides = array<i32>} : memref<1024xf32, #tpu.memory_space<vmem>>, vector<16xf32>,
        %mul3A_352 = arith.mulf %convert_element_type3A_196, %sub3A : vector<16xf32>
        %add3A_353 = arith.addf %get3A_300, %mul3A_352 : vector<16xf32>
        %swap3A_354 = arith.constant 1 : i32
        %swap3A_355 = arith.constant 3 : i32
        %swap3A_356 = arith.constant 0 : i32
        %swap3A_357 = arith.constant 0 : i32
        %swap3A_358 = tpu.memref_slice %arg7[%swap3A_354, %swap3A_356, %swap3A_357] : memref<2x16x1024xf32, #tpu.memory_space<vmem>> -> memref<1x16x1024xf32, #tpu.memory_space<vmem>>
        %swap3A_359 = tpu.memref_squeeze %swap3A_358 : memref<1x16x1024xf32, #tpu.memory_space<vmem>> -> memref<16x1024xf32, #tpu.memory_space<vmem>>
        %swap3A_360 = arith.constant 0 : i32
        %swap3A_361 = tpu.memref_slice %swap3A_359[%swap3A_355, %swap3A_360] : memref<16x1024xf32, #tpu.memory_space<vmem>> -> memref<1x1024xf32, #tpu.memory_space<vmem>>
        %swap3A_362 = tpu.memref_squeeze %swap3A_361 : memref<1x1024xf32, #tpu.memory_space<vmem>> -> memref<1024xf32, #tpu.memory_space<vmem>>
        %swap3A_363 = arith.index_cast %multiple_of3A_293 : i32 to index
        %swap3A_364 = tpu.vector_load %swap3A_362[%swap3A_363] {strides = array<i32>} : memref<1024xf32, #tpu.memory_space<vmem>>, vector<16xf32>,
        %swap3A_365 = vector.shape_cast %swap3A_364 : vector<16xf32> to vector<16xf32>
        %swap3A_366 = vector.shape_cast %add3A_353 : vector<16xf32> to vector<16xf32>
        tpu.vector_store %swap3A_362[%swap3A_363], %swap3A_366 {strides = array<i32>} : memref<1024xf32, #tpu.memory_space<vmem>>, vector<16xf32>,
        %mul3A_367 = arith.mulf %convert_element_type3A_201, %sub3A : vector<16xf32>
        %add3A_368 = arith.addf %get3A_300, %mul3A_367 : vector<16xf32>
        %swap3A_369 = arith.constant 1 : i32
        %swap3A_370 = arith.constant 4 : i32
        %swap3A_371 = arith.constant 0 : i32
        %swap3A_372 = arith.constant 0 : i32
        %swap3A_373 = tpu.memref_slice %arg7[%swap3A_369, %swap3A_371, %swap3A_372] : memref<2x16x1024xf32, #tpu.memory_space<vmem>> -> memref<1x16x1024xf32, #tpu.memory_space<vmem>>
        %swap3A_374 = tpu.memref_squeeze %swap3A_373 : memref<1x16x1024xf32, #tpu.memory_space<vmem>> -> memref<16x1024xf32, #tpu.memory_space<vmem>>
        %swap3A_375 = arith.constant 0 : i32
        %swap3A_376 = tpu.memref_slice %swap3A_374[%swap3A_370, %swap3A_375] : memref<16x1024xf32, #tpu.memory_space<vmem>> -> memref<1x1024xf32, #tpu.memory_space<vmem>>
        %swap3A_377 = tpu.memref_squeeze %swap3A_376 : memref<1x1024xf32, #tpu.memory_space<vmem>> -> memref<1024xf32, #tpu.memory_space<vmem>>
        %swap3A_378 = arith.index_cast %multiple_of3A_293 : i32 to index
        %swap3A_379 = tpu.vector_load %swap3A_377[%swap3A_378] {strides = array<i32>} : memref<1024xf32, #tpu.memory_space<vmem>>, vector<16xf32>,
        %swap3A_380 = vector.shape_cast %swap3A_379 : vector<16xf32> to vector<16xf32>
        %swap3A_381 = vector.shape_cast %add3A_368 : vector<16xf32> to vector<16xf32>
        tpu.vector_store %swap3A_377[%swap3A_378], %swap3A_381 {strides = array<i32>} : memref<1024xf32, #tpu.memory_space<vmem>>, vector<16xf32>,
        %mul3A_382 = arith.mulf %convert_element_type3A_206, %sub3A : vector<16xf32>
        %add3A_383 = arith.addf %get3A_300, %mul3A_382 : vector<16xf32>
        %swap3A_384 = arith.constant 1 : i32
        %swap3A_385 = arith.constant 5 : i32
        %swap3A_386 = arith.constant 0 : i32
        %swap3A_387 = arith.constant 0 : i32
        %swap3A_388 = tpu.memref_slice %arg7[%swap3A_384, %swap3A_386, %swap3A_387] : memref<2x16x1024xf32, #tpu.memory_space<vmem>> -> memref<1x16x1024xf32, #tpu.memory_space<vmem>>
        %swap3A_389 = tpu.memref_squeeze %swap3A_388 : memref<1x16x1024xf32, #tpu.memory_space<vmem>> -> memref<16x1024xf32, #tpu.memory_space<vmem>>
        %swap3A_390 = arith.constant 0 : i32
        %swap3A_391 = tpu.memref_slice %swap3A_389[%swap3A_385, %swap3A_390] : memref<16x1024xf32, #tpu.memory_space<vmem>> -> memref<1x1024xf32, #tpu.memory_space<vmem>>
        %swap3A_392 = tpu.memref_squeeze %swap3A_391 : memref<1x1024xf32, #tpu.memory_space<vmem>> -> memref<1024xf32, #tpu.memory_space<vmem>>
        %swap3A_393 = arith.index_cast %multiple_of3A_293 : i32 to index
        %swap3A_394 = tpu.vector_load %swap3A_392[%swap3A_393] {strides = array<i32>} : memref<1024xf32, #tpu.memory_space<vmem>>, vector<16xf32>,
        %swap3A_395 = vector.shape_cast %swap3A_394 : vector<16xf32> to vector<16xf32>
        %swap3A_396 = vector.shape_cast %add3A_383 : vector<16xf32> to vector<16xf32>
        tpu.vector_store %swap3A_392[%swap3A_393], %swap3A_396 {strides = array<i32>} : memref<1024xf32, #tpu.memory_space<vmem>>, vector<16xf32>,
        %mul3A_397 = arith.mulf %convert_element_type3A_211, %sub3A : vector<16xf32>
        %add3A_398 = arith.addf %get3A_300, %mul3A_397 : vector<16xf32>
        %swap3A_399 = arith.constant 1 : i32
        %swap3A_400 = arith.constant 6 : i32
        %swap3A_401 = arith.constant 0 : i32
        %swap3A_402 = arith.constant 0 : i32
        %swap3A_403 = tpu.memref_slice %arg7[%swap3A_399, %swap3A_401, %swap3A_402] : memref<2x16x1024xf32, #tpu.memory_space<vmem>> -> memref<1x16x1024xf32, #tpu.memory_space<vmem>>
        %swap3A_404 = tpu.memref_squeeze %swap3A_403 : memref<1x16x1024xf32, #tpu.memory_space<vmem>> -> memref<16x1024xf32, #tpu.memory_space<vmem>>
        %swap3A_405 = arith.constant 0 : i32
        %swap3A_406 = tpu.memref_slice %swap3A_404[%swap3A_400, %swap3A_405] : memref<16x1024xf32, #tpu.memory_space<vmem>> -> memref<1x1024xf32, #tpu.memory_space<vmem>>
        %swap3A_407 = tpu.memref_squeeze %swap3A_406 : memref<1x1024xf32, #tpu.memory_space<vmem>> -> memref<1024xf32, #tpu.memory_space<vmem>>
        %swap3A_408 = arith.index_cast %multiple_of3A_293 : i32 to index
        %swap3A_409 = tpu.vector_load %swap3A_407[%swap3A_408] {strides = array<i32>} : memref<1024xf32, #tpu.memory_space<vmem>>, vector<16xf32>,
        %swap3A_410 = vector.shape_cast %swap3A_409 : vector<16xf32> to vector<16xf32>
        %swap3A_411 = vector.shape_cast %add3A_398 : vector<16xf32> to vector<16xf32>
        tpu.vector_store %swap3A_407[%swap3A_408], %swap3A_411 {strides = array<i32>} : memref<1024xf32, #tpu.memory_space<vmem>>, vector<16xf32>,
        %mul3A_412 = arith.mulf %convert_element_type3A_216, %sub3A : vector<16xf32>
        %add3A_413 = arith.addf %get3A_300, %mul3A_412 : vector<16xf32>
        %swap3A_414 = arith.constant 1 : i32
        %swap3A_415 = arith.constant 7 : i32
        %swap3A_416 = arith.constant 0 : i32
        %swap3A_417 = arith.constant 0 : i32
        %swap3A_418 = tpu.memref_slice %arg7[%swap3A_414, %swap3A_416, %swap3A_417] : memref<2x16x1024xf32, #tpu.memory_space<vmem>> -> memref<1x16x1024xf32, #tpu.memory_space<vmem>>
        %swap3A_419 = tpu.memref_squeeze %swap3A_418 : memref<1x16x1024xf32, #tpu.memory_space<vmem>> -> memref<16x1024xf32, #tpu.memory_space<vmem>>
        %swap3A_420 = arith.constant 0 : i32
        %swap3A_421 = tpu.memref_slice %swap3A_419[%swap3A_415, %swap3A_420] : memref<16x1024xf32, #tpu.memory_space<vmem>> -> memref<1x1024xf32, #tpu.memory_space<vmem>>
        %swap3A_422 = tpu.memref_squeeze %swap3A_421 : memref<1x1024xf32, #tpu.memory_space<vmem>> -> memref<1024xf32, #tpu.memory_space<vmem>>
        %swap3A_423 = arith.index_cast %multiple_of3A_293 : i32 to index
        %swap3A_424 = tpu.vector_load %swap3A_422[%swap3A_423] {strides = array<i32>} : memref<1024xf32, #tpu.memory_space<vmem>>, vector<16xf32>,
        %swap3A_425 = vector.shape_cast %swap3A_424 : vector<16xf32> to vector<16xf32>
        %swap3A_426 = vector.shape_cast %add3A_413 : vector<16xf32> to vector<16xf32>
        tpu.vector_store %swap3A_422[%swap3A_423], %swap3A_426 {strides = array<i32>} : memref<1024xf32, #tpu.memory_space<vmem>>, vector<16xf32>,
        %mul3A_427 = arith.mulf %convert_element_type3A_221, %sub3A : vector<16xf32>
        %add3A_428 = arith.addf %get3A_300, %mul3A_427 : vector<16xf32>
        %swap3A_429 = arith.constant 1 : i32
        %swap3A_430 = arith.constant 8 : i32
        %swap3A_431 = arith.constant 0 : i32
        %swap3A_432 = arith.constant 0 : i32
        %swap3A_433 = tpu.memref_slice %arg7[%swap3A_429, %swap3A_431, %swap3A_432] : memref<2x16x1024xf32, #tpu.memory_space<vmem>> -> memref<1x16x1024xf32, #tpu.memory_space<vmem>>
        %swap3A_434 = tpu.memref_squeeze %swap3A_433 : memref<1x16x1024xf32, #tpu.memory_space<vmem>> -> memref<16x1024xf32, #tpu.memory_space<vmem>>
        %swap3A_435 = arith.constant 0 : i32
        %swap3A_436 = tpu.memref_slice %swap3A_434[%swap3A_430, %swap3A_435] : memref<16x1024xf32, #tpu.memory_space<vmem>> -> memref<1x1024xf32, #tpu.memory_space<vmem>>
        %swap3A_437 = tpu.memref_squeeze %swap3A_436 : memref<1x1024xf32, #tpu.memory_space<vmem>> -> memref<1024xf32, #tpu.memory_space<vmem>>
        %swap3A_438 = arith.index_cast %multiple_of3A_293 : i32 to index
        %swap3A_439 = tpu.vector_load %swap3A_437[%swap3A_438] {strides = array<i32>} : memref<1024xf32, #tpu.memory_space<vmem>>, vector<16xf32>,
        %swap3A_440 = vector.shape_cast %swap3A_439 : vector<16xf32> to vector<16xf32>
        %swap3A_441 = vector.shape_cast %add3A_428 : vector<16xf32> to vector<16xf32>
        tpu.vector_store %swap3A_437[%swap3A_438], %swap3A_441 {strides = array<i32>} : memref<1024xf32, #tpu.memory_space<vmem>>, vector<16xf32>,
        %mul3A_442 = arith.mulf %convert_element_type3A_226, %sub3A : vector<16xf32>
        %add3A_443 = arith.addf %get3A_300, %mul3A_442 : vector<16xf32>
        %swap3A_444 = arith.constant 1 : i32
        %swap3A_445 = arith.constant 9 : i32
        %swap3A_446 = arith.constant 0 : i32
        %swap3A_447 = arith.constant 0 : i32
        %swap3A_448 = tpu.memref_slice %arg7[%swap3A_444, %swap3A_446, %swap3A_447] : memref<2x16x1024xf32, #tpu.memory_space<vmem>> -> memref<1x16x1024xf32, #tpu.memory_space<vmem>>
        %swap3A_449 = tpu.memref_squeeze %swap3A_448 : memref<1x16x1024xf32, #tpu.memory_space<vmem>> -> memref<16x1024xf32, #tpu.memory_space<vmem>>
        %swap3A_450 = arith.constant 0 : i32
        %swap3A_451 = tpu.memref_slice %swap3A_449[%swap3A_445, %swap3A_450] : memref<16x1024xf32, #tpu.memory_space<vmem>> -> memref<1x1024xf32, #tpu.memory_space<vmem>>
        %swap3A_452 = tpu.memref_squeeze %swap3A_451 : memref<1x1024xf32, #tpu.memory_space<vmem>> -> memref<1024xf32, #tpu.memory_space<vmem>>
        %swap3A_453 = arith.index_cast %multiple_of3A_293 : i32 to index
        %swap3A_454 = tpu.vector_load %swap3A_452[%swap3A_453] {strides = array<i32>} : memref<1024xf32, #tpu.memory_space<vmem>>, vector<16xf32>,
        %swap3A_455 = vector.shape_cast %swap3A_454 : vector<16xf32> to vector<16xf32>
        %swap3A_456 = vector.shape_cast %add3A_443 : vector<16xf32> to vector<16xf32>
        tpu.vector_store %swap3A_452[%swap3A_453], %swap3A_456 {strides = array<i32>} : memref<1024xf32, #tpu.memory_space<vmem>>, vector<16xf32>,
        %mul3A_457 = arith.mulf %convert_element_type3A_231, %sub3A : vector<16xf32>
        %add3A_458 = arith.addf %get3A_300, %mul3A_457 : vector<16xf32>
        %swap3A_459 = arith.constant 1 : i32
        %swap3A_460 = arith.constant 10 : i32
        %swap3A_461 = arith.constant 0 : i32
        %swap3A_462 = arith.constant 0 : i32
        %swap3A_463 = tpu.memref_slice %arg7[%swap3A_459, %swap3A_461, %swap3A_462] : memref<2x16x1024xf32, #tpu.memory_space<vmem>> -> memref<1x16x1024xf32, #tpu.memory_space<vmem>>
        %swap3A_464 = tpu.memref_squeeze %swap3A_463 : memref<1x16x1024xf32, #tpu.memory_space<vmem>> -> memref<16x1024xf32, #tpu.memory_space<vmem>>
        %swap3A_465 = arith.constant 0 : i32
        %swap3A_466 = tpu.memref_slice %swap3A_464[%swap3A_460, %swap3A_465] : memref<16x1024xf32, #tpu.memory_space<vmem>> -> memref<1x1024xf32, #tpu.memory_space<vmem>>
        %swap3A_467 = tpu.memref_squeeze %swap3A_466 : memref<1x1024xf32, #tpu.memory_space<vmem>> -> memref<1024xf32, #tpu.memory_space<vmem>>
        %swap3A_468 = arith.index_cast %multiple_of3A_293 : i32 to index
        %swap3A_469 = tpu.vector_load %swap3A_467[%swap3A_468] {strides = array<i32>} : memref<1024xf32, #tpu.memory_space<vmem>>, vector<16xf32>,
        %swap3A_470 = vector.shape_cast %swap3A_469 : vector<16xf32> to vector<16xf32>
        %swap3A_471 = vector.shape_cast %add3A_458 : vector<16xf32> to vector<16xf32>
        tpu.vector_store %swap3A_467[%swap3A_468], %swap3A_471 {strides = array<i32>} : memref<1024xf32, #tpu.memory_space<vmem>>, vector<16xf32>,
        %mul3A_472 = arith.mulf %convert_element_type3A_236, %sub3A : vector<16xf32>
        %add3A_473 = arith.addf %get3A_300, %mul3A_472 : vector<16xf32>
        %swap3A_474 = arith.constant 1 : i32
        %swap3A_475 = arith.constant 11 : i32
        %swap3A_476 = arith.constant 0 : i32
        %swap3A_477 = arith.constant 0 : i32
        %swap3A_478 = tpu.memref_slice %arg7[%swap3A_474, %swap3A_476, %swap3A_477] : memref<2x16x1024xf32, #tpu.memory_space<vmem>> -> memref<1x16x1024xf32, #tpu.memory_space<vmem>>
        %swap3A_479 = tpu.memref_squeeze %swap3A_478 : memref<1x16x1024xf32, #tpu.memory_space<vmem>> -> memref<16x1024xf32, #tpu.memory_space<vmem>>
        %swap3A_480 = arith.constant 0 : i32
        %swap3A_481 = tpu.memref_slice %swap3A_479[%swap3A_475, %swap3A_480] : memref<16x1024xf32, #tpu.memory_space<vmem>> -> memref<1x1024xf32, #tpu.memory_space<vmem>>
        %swap3A_482 = tpu.memref_squeeze %swap3A_481 : memref<1x1024xf32, #tpu.memory_space<vmem>> -> memref<1024xf32, #tpu.memory_space<vmem>>
        %swap3A_483 = arith.index_cast %multiple_of3A_293 : i32 to index
        %swap3A_484 = tpu.vector_load %swap3A_482[%swap3A_483] {strides = array<i32>} : memref<1024xf32, #tpu.memory_space<vmem>>, vector<16xf32>,
        %swap3A_485 = vector.shape_cast %swap3A_484 : vector<16xf32> to vector<16xf32>
        %swap3A_486 = vector.shape_cast %add3A_473 : vector<16xf32> to vector<16xf32>
        tpu.vector_store %swap3A_482[%swap3A_483], %swap3A_486 {strides = array<i32>} : memref<1024xf32, #tpu.memory_space<vmem>>, vector<16xf32>,
        %mul3A_487 = arith.mulf %convert_element_type3A_241, %sub3A : vector<16xf32>
        %add3A_488 = arith.addf %get3A_300, %mul3A_487 : vector<16xf32>
        %swap3A_489 = arith.constant 1 : i32
        %swap3A_490 = arith.constant 12 : i32
        %swap3A_491 = arith.constant 0 : i32
        %swap3A_492 = arith.constant 0 : i32
        %swap3A_493 = tpu.memref_slice %arg7[%swap3A_489, %swap3A_491, %swap3A_492] : memref<2x16x1024xf32, #tpu.memory_space<vmem>> -> memref<1x16x1024xf32, #tpu.memory_space<vmem>>
        %swap3A_494 = tpu.memref_squeeze %swap3A_493 : memref<1x16x1024xf32, #tpu.memory_space<vmem>> -> memref<16x1024xf32, #tpu.memory_space<vmem>>
        %swap3A_495 = arith.constant 0 : i32
        %swap3A_496 = tpu.memref_slice %swap3A_494[%swap3A_490, %swap3A_495] : memref<16x1024xf32, #tpu.memory_space<vmem>> -> memref<1x1024xf32, #tpu.memory_space<vmem>>
        %swap3A_497 = tpu.memref_squeeze %swap3A_496 : memref<1x1024xf32, #tpu.memory_space<vmem>> -> memref<1024xf32, #tpu.memory_space<vmem>>
        %swap3A_498 = arith.index_cast %multiple_of3A_293 : i32 to index
        %swap3A_499 = tpu.vector_load %swap3A_497[%swap3A_498] {strides = array<i32>} : memref<1024xf32, #tpu.memory_space<vmem>>, vector<16xf32>,
        %swap3A_500 = vector.shape_cast %swap3A_499 : vector<16xf32> to vector<16xf32>
        %swap3A_501 = vector.shape_cast %add3A_488 : vector<16xf32> to vector<16xf32>
        tpu.vector_store %swap3A_497[%swap3A_498], %swap3A_501 {strides = array<i32>} : memref<1024xf32, #tpu.memory_space<vmem>>, vector<16xf32>,
        %mul3A_502 = arith.mulf %convert_element_type3A_246, %sub3A : vector<16xf32>
        %add3A_503 = arith.addf %get3A_300, %mul3A_502 : vector<16xf32>
        %swap3A_504 = arith.constant 1 : i32
        %swap3A_505 = arith.constant 13 : i32
        %swap3A_506 = arith.constant 0 : i32
        %swap3A_507 = arith.constant 0 : i32
        %swap3A_508 = tpu.memref_slice %arg7[%swap3A_504, %swap3A_506, %swap3A_507] : memref<2x16x1024xf32, #tpu.memory_space<vmem>> -> memref<1x16x1024xf32, #tpu.memory_space<vmem>>
        %swap3A_509 = tpu.memref_squeeze %swap3A_508 : memref<1x16x1024xf32, #tpu.memory_space<vmem>> -> memref<16x1024xf32, #tpu.memory_space<vmem>>
        %swap3A_510 = arith.constant 0 : i32
        %swap3A_511 = tpu.memref_slice %swap3A_509[%swap3A_505, %swap3A_510] : memref<16x1024xf32, #tpu.memory_space<vmem>> -> memref<1x1024xf32, #tpu.memory_space<vmem>>
        %swap3A_512 = tpu.memref_squeeze %swap3A_511 : memref<1x1024xf32, #tpu.memory_space<vmem>> -> memref<1024xf32, #tpu.memory_space<vmem>>
        %swap3A_513 = arith.index_cast %multiple_of3A_293 : i32 to index
        %swap3A_514 = tpu.vector_load %swap3A_512[%swap3A_513] {strides = array<i32>} : memref<1024xf32, #tpu.memory_space<vmem>>, vector<16xf32>,
        %swap3A_515 = vector.shape_cast %swap3A_514 : vector<16xf32> to vector<16xf32>
        %swap3A_516 = vector.shape_cast %add3A_503 : vector<16xf32> to vector<16xf32>
        tpu.vector_store %swap3A_512[%swap3A_513], %swap3A_516 {strides = array<i32>} : memref<1024xf32, #tpu.memory_space<vmem>>, vector<16xf32>,
        %mul3A_517 = arith.mulf %convert_element_type3A_251, %sub3A : vector<16xf32>
        %add3A_518 = arith.addf %get3A_300, %mul3A_517 : vector<16xf32>
        %swap3A_519 = arith.constant 1 : i32
        %swap3A_520 = arith.constant 14 : i32
        %swap3A_521 = arith.constant 0 : i32
        %swap3A_522 = arith.constant 0 : i32
        %swap3A_523 = tpu.memref_slice %arg7[%swap3A_519, %swap3A_521, %swap3A_522] : memref<2x16x1024xf32, #tpu.memory_space<vmem>> -> memref<1x16x1024xf32, #tpu.memory_space<vmem>>
        %swap3A_524 = tpu.memref_squeeze %swap3A_523 : memref<1x16x1024xf32, #tpu.memory_space<vmem>> -> memref<16x1024xf32, #tpu.memory_space<vmem>>
        %swap3A_525 = arith.constant 0 : i32
        %swap3A_526 = tpu.memref_slice %swap3A_524[%swap3A_520, %swap3A_525] : memref<16x1024xf32, #tpu.memory_space<vmem>> -> memref<1x1024xf32, #tpu.memory_space<vmem>>
        %swap3A_527 = tpu.memref_squeeze %swap3A_526 : memref<1x1024xf32, #tpu.memory_space<vmem>> -> memref<1024xf32, #tpu.memory_space<vmem>>
        %swap3A_528 = arith.index_cast %multiple_of3A_293 : i32 to index
        %swap3A_529 = tpu.vector_load %swap3A_527[%swap3A_528] {strides = array<i32>} : memref<1024xf32, #tpu.memory_space<vmem>>, vector<16xf32>,
        %swap3A_530 = vector.shape_cast %swap3A_529 : vector<16xf32> to vector<16xf32>
        %swap3A_531 = vector.shape_cast %add3A_518 : vector<16xf32> to vector<16xf32>
        tpu.vector_store %swap3A_527[%swap3A_528], %swap3A_531 {strides = array<i32>} : memref<1024xf32, #tpu.memory_space<vmem>>, vector<16xf32>,
        %mul3A_532 = arith.mulf %convert_element_type3A_256, %sub3A : vector<16xf32>
        %add3A_533 = arith.addf %get3A_300, %mul3A_532 : vector<16xf32>
        %swap3A_534 = arith.constant 1 : i32
        %swap3A_535 = arith.constant 15 : i32
        %swap3A_536 = arith.constant 0 : i32
        %swap3A_537 = arith.constant 0 : i32
        %swap3A_538 = tpu.memref_slice %arg7[%swap3A_534, %swap3A_536, %swap3A_537] : memref<2x16x1024xf32, #tpu.memory_space<vmem>> -> memref<1x16x1024xf32, #tpu.memory_space<vmem>>
        %swap3A_539 = tpu.memref_squeeze %swap3A_538 : memref<1x16x1024xf32, #tpu.memory_space<vmem>> -> memref<16x1024xf32, #tpu.memory_space<vmem>>
        %swap3A_540 = arith.constant 0 : i32
        %swap3A_541 = tpu.memref_slice %swap3A_539[%swap3A_535, %swap3A_540] : memref<16x1024xf32, #tpu.memory_space<vmem>> -> memref<1x1024xf32, #tpu.memory_space<vmem>>
        %swap3A_542 = tpu.memref_squeeze %swap3A_541 : memref<1x1024xf32, #tpu.memory_space<vmem>> -> memref<1024xf32, #tpu.memory_space<vmem>>
        %swap3A_543 = arith.index_cast %multiple_of3A_293 : i32 to index
        %swap3A_544 = tpu.vector_load %swap3A_542[%swap3A_543] {strides = array<i32>} : memref<1024xf32, #tpu.memory_space<vmem>>, vector<16xf32>,
        %swap3A_545 = vector.shape_cast %swap3A_544 : vector<16xf32> to vector<16xf32>
        %swap3A_546 = vector.shape_cast %add3A_533 : vector<16xf32> to vector<16xf32>
        tpu.vector_store %swap3A_542[%swap3A_543], %swap3A_546 {strides = array<i32>} : memref<1024xf32, #tpu.memory_space<vmem>>, vector<16xf32>,
      }
      %scan3A_267 = arith.constant 64 : i32
      %add3A_268 = arith.addi %mul3A_4, %multiple_of3A_173 : i32
      %dma_start3A_269 = arith.constant 1 : i32
      %dma_start3A_270 = arith.constant 0 : i32
      %dma_start3A_271 = arith.constant 0 : i32
      %dma_start3A_272 = tpu.memref_slice %arg7[%dma_start3A_269, %dma_start3A_270, %dma_start3A_271] : memref<2x16x1024xf32, #tpu.memory_space<vmem>> -> memref<1x16x1024xf32, #tpu.memory_space<vmem>>
      %dma_start3A_273 = tpu.memref_squeeze %dma_start3A_272 : memref<1x16x1024xf32, #tpu.memory_space<vmem>> -> memref<16x1024xf32, #tpu.memory_space<vmem>>
      %dma_start3A_274 = arith.constant 0 : i32
      %dma_start3A_275 = arith.constant 0 : i32
      %dma_start3A_276 = tpu.memref_slice %arg4[%div3A_1, %dma_start3A_274, %dma_start3A_275] : memref<4x8192x1024xf32, #tpu.memory_space<hbm>> -> memref<1x8192x1024xf32, #tpu.memory_space<hbm>>
      %dma_start3A_277 = tpu.memref_squeeze %dma_start3A_276 : memref<1x8192x1024xf32, #tpu.memory_space<hbm>> -> memref<8192x1024xf32, #tpu.memory_space<hbm>>
      %dma_start3A_278 = arith.constant 0 : i32
      %dma_start3A_279 = tpu.memref_slice %dma_start3A_277[%add3A_268, %dma_start3A_278] : memref<8192x1024xf32, #tpu.memory_space<hbm>> -> memref<16x1024xf32, #tpu.memory_space<hbm>>
      %dma_start3A_280 = arith.constant 0 : i32
      %dma_start3A_281 = arith.constant 0 : i32
      %dma_start3A_282 = tpu.memref_slice %arg4[%div3A_1, %dma_start3A_280, %dma_start3A_281] : memref<4x8192x1024xf32, #tpu.memory_space<hbm>> -> memref<1x8192x1024xf32, #tpu.memory_space<hbm>>
      %dma_start3A_283 = tpu.memref_squeeze %dma_start3A_282 : memref<1x8192x1024xf32, #tpu.memory_space<hbm>> -> memref<8192x1024xf32, #tpu.memory_space<hbm>>
      %dma_start3A_284 = arith.constant 0 : i32
      %dma_start3A_285 = tpu.memref_slice %dma_start3A_283[%add3A_268, %dma_start3A_284] : memref<8192x1024xf32, #tpu.memory_space<hbm>> -> memref<16x1024xf32, #tpu.memory_space<hbm>>
      %dma_start3A_286 = arith.constant 0 : i32
      %dma_start3A_287 = arith.constant 0 : i32
      %dma_start3A_288 = tpu.memref_slice %arg7[%dma_start3A_269, %dma_start3A_286, %dma_start3A_287] : memref<2x16x1024xf32, #tpu.memory_space<vmem>> -> memref<1x16x1024xf32, #tpu.memory_space<vmem>>
      %dma_start3A_289 = tpu.memref_squeeze %dma_start3A_288 : memref<1x16x1024xf32, #tpu.memory_space<vmem>> -> memref<16x1024xf32, #tpu.memory_space<vmem>>
      tpu.enqueue_dma source(%dma_start3A_289 : memref<16x1024xf32, #tpu.memory_space<vmem>>) target(%dma_start3A_285 : memref<16x1024xf32, #tpu.memory_space<hbm>>) target_semaphore(%arg8 : memref<!tpu.dma_semaphore, #tpu.memory_space<semaphore_mem>>)
    }
    %scan3A_9 = arith.constant 16 : i32
    %dma_wait3A = arith.constant 0 : i32
    %dma_wait3A_10 = arith.constant 0 : i32
    %dma_wait3A_11 = arith.constant 0 : i32
    %dma_wait3A_12 = tpu.memref_slice %arg7[%dma_wait3A, %dma_wait3A_10, %dma_wait3A_11] : memref<2x16x1024xf32, #tpu.memory_space<vmem>> -> memref<1x16x1024xf32, #tpu.memory_space<vmem>>
    %dma_wait3A_13 = tpu.memref_squeeze %dma_wait3A_12 : memref<1x16x1024xf32, #tpu.memory_space<vmem>> -> memref<16x1024xf32, #tpu.memory_space<vmem>>
    %dma_wait3A_14 = arith.constant 0 : i32
    %dma_wait3A_15 = arith.constant 0 : i32
    %dma_wait3A_16 = tpu.memref_slice %arg4[%div3A_1, %dma_wait3A_14, %dma_wait3A_15] : memref<4x8192x1024xf32, #tpu.memory_space<hbm>> -> memref<1x8192x1024xf32, #tpu.memory_space<hbm>>
    %dma_wait3A_17 = tpu.memref_squeeze %dma_wait3A_16 : memref<1x8192x1024xf32, #tpu.memory_space<hbm>> -> memref<8192x1024xf32, #tpu.memory_space<hbm>>
    %dma_wait3A_18 = arith.constant 0 : i32
    %dma_wait3A_19 = tpu.memref_slice %dma_wait3A_17[%mul3A_4, %dma_wait3A_18] : memref<8192x1024xf32, #tpu.memory_space<hbm>> -> memref<16x1024xf32, #tpu.memory_space<hbm>>
    %dma_wait3A_20 = arith.constant 0 : i32
    %dma_wait3A_21 = arith.constant 0 : i32
    %dma_wait3A_22 = tpu.memref_slice %arg7[%dma_wait3A, %dma_wait3A_20, %dma_wait3A_21] : memref<2x16x1024xf32, #tpu.memory_space<vmem>> -> memref<1x16x1024xf32, #tpu.memory_space<vmem>>
    %dma_wait3A_23 = tpu.memref_squeeze %dma_wait3A_22 : memref<1x16x1024xf32, #tpu.memory_space<vmem>> -> memref<16x1024xf32, #tpu.memory_space<vmem>>
    %dma_wait3A_24 = arith.constant 0 : i32
    %dma_wait3A_25 = arith.constant 0 : i32
    %dma_wait3A_26 = tpu.memref_slice %arg4[%div3A_1, %dma_wait3A_24, %dma_wait3A_25] : memref<4x8192x1024xf32, #tpu.memory_space<hbm>> -> memref<1x8192x1024xf32, #tpu.memory_space<hbm>>
    %dma_wait3A_27 = tpu.memref_squeeze %dma_wait3A_26 : memref<1x8192x1024xf32, #tpu.memory_space<hbm>> -> memref<8192x1024xf32, #tpu.memory_space<hbm>>
    %dma_wait3A_28 = arith.constant 0 : i32
    %dma_wait3A_29 = tpu.memref_slice %dma_wait3A_27[%mul3A_4, %dma_wait3A_28] : memref<8192x1024xf32, #tpu.memory_space<hbm>> -> memref<16x1024xf32, #tpu.memory_space<hbm>>
    tpu.wait_dma2 semaphore(%arg8 : memref<!tpu.dma_semaphore, #tpu.memory_space<semaphore_mem>>) src(%dma_wait3A_29 : memref<16x1024xf32, #tpu.memory_space<hbm>>) dst(%dma_wait3A_23 : memref<16x1024xf32, #tpu.memory_space<vmem>>)
    %dma_wait3A_30 = arith.constant 0 : i32
    %dma_wait3A_31 = arith.constant 0 : i32
    %dma_wait3A_32 = arith.constant 0 : i32
    %dma_wait3A_33 = tpu.memref_slice %arg7[%dma_wait3A_30, %dma_wait3A_31, %dma_wait3A_32] : memref<2x16x1024xf32, #tpu.memory_space<vmem>> -> memref<1x16x1024xf32, #tpu.memory_space<vmem>>
    %dma_wait3A_34 = tpu.memref_squeeze %dma_wait3A_33 : memref<1x16x1024xf32, #tpu.memory_space<vmem>> -> memref<16x1024xf32, #tpu.memory_space<vmem>>
    %dma_wait3A_35 = arith.constant 0 : i32
    %dma_wait3A_36 = arith.constant 0 : i32
    %dma_wait3A_37 = tpu.memref_slice %arg4[%div3A_1, %dma_wait3A_35, %dma_wait3A_36] : memref<4x8192x1024xf32, #tpu.memory_space<hbm>> -> memref<1x8192x1024xf32, #tpu.memory_space<hbm>>
    %dma_wait3A_38 = tpu.memref_squeeze %dma_wait3A_37 : memref<1x8192x1024xf32, #tpu.memory_space<hbm>> -> memref<8192x1024xf32, #tpu.memory_space<hbm>>
    %dma_wait3A_39 = arith.constant 0 : i32
    %dma_wait3A_40 = tpu.memref_slice %dma_wait3A_38[%mul3A_4, %dma_wait3A_39] : memref<8192x1024xf32, #tpu.memory_space<hbm>> -> memref<16x1024xf32, #tpu.memory_space<hbm>>
    %dma_wait3A_41 = arith.constant 0 : i32
    %dma_wait3A_42 = arith.constant 0 : i32
    %dma_wait3A_43 = tpu.memref_slice %arg7[%dma_wait3A_30, %dma_wait3A_41, %dma_wait3A_42] : memref<2x16x1024xf32, #tpu.memory_space<vmem>> -> memref<1x16x1024xf32, #tpu.memory_space<vmem>>
    %dma_wait3A_44 = tpu.memref_squeeze %dma_wait3A_43 : memref<1x16x1024xf32, #tpu.memory_space<vmem>> -> memref<16x1024xf32, #tpu.memory_space<vmem>>
    %dma_wait3A_45 = arith.constant 0 : i32
    %dma_wait3A_46 = arith.constant 0 : i32
    %dma_wait3A_47 = tpu.memref_slice %arg4[%div3A_1, %dma_wait3A_45, %dma_wait3A_46] : memref<4x8192x1024xf32, #tpu.memory_space<hbm>> -> memref<1x8192x1024xf32, #tpu.memory_space<hbm>>
    %dma_wait3A_48 = tpu.memref_squeeze %dma_wait3A_47 : memref<1x8192x1024xf32, #tpu.memory_space<hbm>> -> memref<8192x1024xf32, #tpu.memory_space<hbm>>
    %dma_wait3A_49 = arith.constant 0 : i32
    %dma_wait3A_50 = tpu.memref_slice %dma_wait3A_48[%mul3A_4, %dma_wait3A_49] : memref<8192x1024xf32, #tpu.memory_space<hbm>> -> memref<16x1024xf32, #tpu.memory_space<hbm>>
    tpu.wait_dma2 semaphore(%arg8 : memref<!tpu.dma_semaphore, #tpu.memory_space<semaphore_mem>>) src(%dma_wait3A_50 : memref<16x1024xf32, #tpu.memory_space<hbm>>) dst(%dma_wait3A_44 : memref<16x1024xf32, #tpu.memory_space<vmem>>)
    return
  }
}

module attributes {stable_mosaic.version = 14 : i64} {
  func.func @_tc_body(%arg0: i32, %arg1: i32, %arg2: memref<4x2048xi32, #tpu.memory_space<vmem>>, %arg3: memref<2x1024xf32, #tpu.memory_space<vmem>>, %arg4: memref<32768x1024xf32, #tpu.memory_space<any>>, %arg5: memref<2048x1024xf32, #tpu.memory_space<vmem>>) attributes {dimension_semantics = [#tpu.dimension_semantics<arbitrary>, #tpu.dimension_semantics<arbitrary>], iteration_bounds = array<i64: 2, 4>, scalar_prefetch = 0 : i64, scratch_operands = 0 : i64, tpu.core_type = #tpu.core_type<tc>, window_params = [{transform_indices = @transform_0, window_bounds = array<i64: 4, 2048>}, {pipeline_mode = #tpu.pipeline_mode<synchronous>, transform_indices = @transform_1, window_bounds = array<i64: 2, 1024>}, {}, {transform_indices = @transform_3, window_bounds = array<i64: 2048, 1024>}]} {
    %add3A = arith.constant 2 : i32
    %add3A_0 = arith.addi %arg0, %add3A : i32
    %get3A = arith.index_cast %add3A_0 : i32 to index
    %get3A_1 = arith.constant 0 : index
    %get3A_2 = vector.load %arg2[%get3A, %get3A_1] : memref<4x2048xi32, #tpu.memory_space<vmem>>, vector<1x2048xi32>
    %transpose3A = tpu.transpose %get3A_2, [1, 0] : vector<1x2048xi32> -> vector<2048x1xi32>
    %get3A_3 = arith.constant 0 : index
    %get3A_4 = arith.constant 0 : index
    %get3A_5 = vector.load %arg3[%get3A_3, %get3A_4] : memref<2x1024xf32, #tpu.memory_space<vmem>>, vector<1x1024xf32>
    %get3A_6 = arith.constant 1 : index
    %get3A_7 = arith.constant 0 : index
    %get3A_8 = vector.load %arg3[%get3A_6, %get3A_7] : memref<2x1024xf32, #tpu.memory_space<vmem>>, vector<1x1024xf32>
    %eq3A = arith.constant 0 : i32
    %eq3A_9 = vector.broadcast %eq3A : i32 to vector<2048x1xi32>
    %eq3A_10 = arith.cmpi eq, %transpose3A, %eq3A_9 : vector<2048x1xi32>
    %broadcast_in_dim3A = vector.shape_cast %eq3A_10 : vector<2048x1xi1> to vector<2048x1xi1>
    %broadcast_in_dim3A_11 = vector.broadcast %broadcast_in_dim3A : vector<2048x1xi1> to vector<2048x1024xi1>
    %broadcast_in_dim3A_12 = vector.shape_cast %get3A_5 : vector<1x1024xf32> to vector<1x1024xf32>
    %broadcast_in_dim3A_13 = vector.broadcast %broadcast_in_dim3A_12 : vector<1x1024xf32> to vector<2048x1024xf32>
    %broadcast_in_dim3A_14 = vector.shape_cast %get3A_8 : vector<1x1024xf32> to vector<1x1024xf32>
    %broadcast_in_dim3A_15 = vector.broadcast %broadcast_in_dim3A_14 : vector<1x1024xf32> to vector<2048x1024xf32>
    %select_n3A = arith.select %broadcast_in_dim3A_11, %broadcast_in_dim3A_13, %broadcast_in_dim3A_15 : vector<2048x1024xi1>, vector<2048x1024xf32>
    %swap3A = arith.constant 0 : index
    %swap3A_16 = arith.constant 0 : index
    %swap3A_17 = vector.load %arg5[%swap3A, %swap3A_16] : memref<2048x1024xf32, #tpu.memory_space<vmem>>, vector<2048x1024xf32>
    tpu.vector_store %arg5[%swap3A, %swap3A_16], %select_n3A {strides = array<i32>} : memref<2048x1024xf32, #tpu.memory_space<vmem>>, vector<2048x1024xf32>,
    return
  }
  func.func @transform_0(%arg0: i32, %arg1: i32) -> (i32, i32) {
    %c0_i32 = arith.constant 0 : i32
    %c0_i32_0 = arith.constant 0 : i32
    return %c0_i32, %arg1 : i32, i32
  }
  func.func @transform_1(%arg0: i32, %arg1: i32) -> (i32, i32) {
    %c0_i32 = arith.constant 0 : i32
    %c0_i32_0 = arith.constant 0 : i32
    %c0_i32_1 = arith.constant 0 : i32
    return %c0_i32, %c0_i32_0 : i32, i32
  }
  func.func @transform_3(%arg0: i32, %arg1: i32) -> (i32, i32) {
    %mul3A = arith.constant 4 : i32
    %mul3A_0 = arith.muli %arg0, %mul3A : i32
    %add3A = arith.constant 8 : i32
    %add3A_1 = arith.addi %add3A, %mul3A_0 : i32
    %add3A_2 = arith.addi %add3A_1, %arg1 : i32
    %c0_i32 = arith.constant 0 : i32
    %c0_i32_3 = arith.constant 0 : i32
    return %add3A_2, %c0_i32 : i32, i32
  }
}

</mosaic_0001>

<sc_bundles>
// kernel: kernel.4.cloned.1.call-start
scs
__scs_entry_jumppad:
0x0: {  	(pc) =	sbr.rel $0x88, $3  }
0x1: {  	(tag) =	ssettag $0x0;
	lr =	simm.s32 $0x1  }
0x2: {  	[smem:$0x3F9F] =	sst lr;
	_ =	strace $0xD0000000  }
0x3: {  	_ = 	snop  }
0x4: {  	_ = 	snop  }
0x5: {  	_ = 	snop  }
0x6: {  	_ = 	snop  }
0x7: {  	_ = 	snop  }
__scs_overlays_trampoline_lowered:
0x8: {  	[smem:$0x3FAE] =	sst s0  }
0x9: {  	[smem:$0x3FAF] =	sst s1  }
0xa: {  	[smem:$0x3FB0] =	sst s2  }
0xb: {  	[smem:$0x3FB1] =	sst s3  }
0xc: {  	[smem:$0x3FB2] =	sst s4  }
0xd: {  	[smem:$0x3FB3] =	sst s5  }
0xe: {  	[smem:$0x3FB4] =	sst s6  }
0xf: {  	[smem:$0x3FB5] =	sst s7  }
0x10: {  	[smem:$0x3FB6] =	sst s8  }
0x11: {  	[smem:$0x3FB7] =	sst s9;
	s0 =	simm.s32 @!p0 $0x0  }
0x12: {  	s1 =	sld [smem:$0x3F9D];
	s0 =	simm.s32 @p0 $0x1  }
0x13: {  	[smem:$0x3FB8] =	sst s0;
	s0 =	simm.s32 @!p1 $0x0  }
0x14: {  	s2 =	sld [smem:$0x3F9C];
	s0 =	simm.s32 @p1 $0x1  }
0x15: {  	[smem:$0x3FB9] =	sst s0;
	s0 =	simm.s32 @!p2 $0x0  }
0x16: {  	s3 =	sld [smem:$0x3FDB];
	s0 =	simm.s32 @p2 $0x1  }
0x17: {  	s4 =	simm.s32 $0x1BF5;
	[smem:$0x3FBB] =	sst s0  }
0x18: {  	s0 =	sld [smem:$0x3F9E];
	_ =	swait.ge [sflag:s4], $0x0  }
0x19: {  	s7 =	sld [smem:$0x3F9F]  }
0x1a: {  	s8 =	sadd.s32 $0xFFFFE003, lr  }
0x1b: {  	s9 =	sadd.s32 $0xFFFFFEF7, lr;
	s5 =	simm.s32 $0xFFFFFFFF;
	p2 =	slt.u32 s8, $0xFFFFF086  }
0x1c: {  	p1 =	slt.u32 s9, $0xF7A;
	s5 =	simm.s32 @!p2 $0x0  }
0x1d: {  	s5 =	simm.s32 @p1 $0x1;
	p0 =	seq.s32 s7, s2  }
0x1e: {  	s7 =	smul.u32 @!p0 $0xF7A, s2;
	p2 =	seq.s32 @!p0 s5, $0x0  }
0x1f: {  	s9 =	smul.u32 $0xF7A, s1;
	s8 =	simm.s32 @!p0 $0x1BF5;
	p2 =	por !p2, p0  }
0x20: {  	[sflag:s8] =	ssyncset.s32 @!p0 $0xFFFFF086;
	s6 =	sadd.s32 @!p0 s3, s7;
	s7 =	simm.s32 @!p0 $0x108  }
0x21: {  	s3 =	sadd.s32 s3, s9;
	s6 =	sadd.s32 @!p0 $0x88, s6;
	s7 =	simm.s32 @p2 $0x1082  }
0x22: {  	[simem:s7], [sflag:s8] =	dma.local @!p0 [hbm:s6], $0xF7A  }
0x23: {  	s9 =	sor.u32 $0xD0000000, s2;
	s6 =	simm.s32 $0x108;
	_ =	swait.ge @!p0 [sflag:s8], $0x0  }
0x24: {  	s3 =	sadd.s32 $0x88, s3;
	s6 =	simm.s32 @!p1 $0x1082;
	[sflag:s4] =	ssyncset.s32 $0xFFFFF086  }
0x25: {  	[simem:s6], [sflag:s4] =	dma.local [hbm:s3], $0xF7A  }
0x26: {  	[smem:$0x3F9F] =	sst s1;
	(tag) =	ssettag s2;
	_ =	strace s9  }
0x27: {  	s1 =	sld [smem:$0x3FAF]  }
0x28: {  	s2 =	sld [smem:$0x3FB0]  }
0x29: {  	s4 =	sld [smem:$0x3FB2]  }
0x2a: {  	p0 =	seq.s32 s5, $0x0;
	s5 =	sld [smem:$0x3FB3]  }
0x2b: {  	s6 =	sld [smem:$0x3FB4]  }
0x2c: {  	s7 =	sld [smem:$0x3FB5]  }
0x2d: {  	s3 =	simm.s32 $0x108;
	s8 =	sld [smem:$0x3FB6]  }
0x2e: {  	s3 =	simm.s32 @!p0 $0x1082;
	s9 =	sld [smem:$0x3FB7]  }
0x2f: {  	lr =	sadd.s32 s0, s3;
	s0 =	sld [smem:$0x3FAE]  }
0x30: {  	s3 =	sld [smem:$0x3FB1]  }
0x31: {  	[smem:$0x3FBA] =	sst s10  }
0x32: {  	s10 =	sld [smem:$0x3FB8];
	_ =	sdelay $0x3  }
0x33: {  	p0 =	seq.s32 s10, $0x1;
	s10 =	sld [smem:$0x3FBA];
	_ =	sdelay $0x3  }
0x34: {  	[smem:$0x3FBA] =	sst s10  }
0x35: {  	s10 =	sld [smem:$0x3FB9];
	_ =	sdelay $0x3  }
0x36: {  	p1 =	seq.s32 s10, $0x1;
	s10 =	sld [smem:$0x3FBA];
	_ =	sdelay $0x3  }
0x37: {  	[smem:$0x3FBA] =	sst s10  }
0x38: {  	s10 =	sld [smem:$0x3FBB]  }
0x39: {  	_ = 	snop;
	(pc) =	sbr.ind lr, $3  }
0x3a: {  	_ = 	snop  }
0x3b: {  	_ = 	snop  }
0x3c: {  	p2 =	seq.s32 s10, $0x1;
	s10 =	sld [smem:$0x3FBA]  }
0x3d: {  	_ =	shalt  }
0x3e: {  	_ =	shalt  }
0x3f: {  	_ =	shalt  }
0x40: {  	_ =	shalt  }
0x41: {  	_ =	shalt  }
0x42: {  	_ =	shalt  }
0x43: {  	_ =	shalt  }
0x44: {  	_ =	shalt  }
0x45: {  	_ =	shalt  }
0x46: {  	_ =	shalt  }
0x47: {  	_ =	shalt  }
0x48: {  	_ =	shalt  }
0x49: {  	_ =	shalt  }
0x4a: {  	_ =	shalt  }
0x4b: {  	_ =	shalt  }
0x4c: {  	_ =	shalt  }
0x4d: {  	_ =	shalt  }
0x4e: {  	_ =	shalt  }
0x4f: {  	_ =	shalt  }
0x50: {  	_ =	shalt  }
0x51: {  	_ =	shalt  }
0x52: {  	_ =	shalt  }
0x53: {  	_ =	shalt  }
0x54: {  	_ =	shalt  }
0x55: {  	_ =	shalt  }
0x56: {  	_ =	shalt  }
0x57: {  	_ =	shalt  }
0x58: {  	_ =	shalt  }
0x59: {  	_ =	shalt  }
0x5a: {  	_ =	shalt  }
0x5b: {  	_ =	shalt  }
0x5c: {  	_ =	shalt  }
0x5d: {  	_ =	shalt  }
0x5e: {  	_ =	shalt  }
0x5f: {  	_ =	shalt  }
0x60: {  	_ =	shalt  }
0x61: {  	_ =	shalt  }
0x62: {  	_ =	shalt  }
0x63: {  	_ =	shalt  }
0x64: {  	_ =	shalt  }
0x65: {  	_ =	shalt  }
0x66: {  	_ =	shalt  }
0x67: {  	_ =	shalt  }
0x68: {  	_ =	shalt  }
0x69: {  	_ =	shalt  }
0x6a: {  	_ =	shalt  }
0x6b: {  	_ =	shalt  }
0x6c: {  	_ =	shalt  }
0x6d: {  	_ =	shalt  }
0x6e: {  	_ =	shalt  }
0x6f: {  	_ =	shalt  }
0x70: {  	_ =	shalt  }
0x71: {  	_ =	shalt  }
0x72: {  	_ =	shalt  }
0x73: {  	_ =	shalt  }
0x74: {  	_ =	shalt  }
0x75: {  	_ =	shalt  }
0x76: {  	_ =	shalt  }
0x77: {  	_ =	shalt  }
0x78: {  	_ =	shalt  }
0x79: {  	_ =	shalt  }
0x7a: {  	_ =	shalt  }
0x7b: {  	_ =	shalt  }
0x7c: {  	_ =	shalt  }
0x7d: {  	_ =	shalt  }
0x7e: {  	_ =	shalt  }
0x7f: {  	_ =	shalt  }
0x80: {  	_ =	shalt  }
0x81: {  	_ =	shalt  }
0x82: {  	_ =	shalt  }
0x83: {  	_ =	shalt  }
0x84: {  	_ =	shalt  }
0x85: {  	_ =	shalt  }
0x86: {  	_ =	shalt  }
0x87: {  	_ =	shalt  }
.Lfunc_end0:
.L_simem_size_0:
called_computation_lowered:
.L_overlay_start_0:
0x88: {  	s2 =	sld [smem:$0x3FD9]  }
0x89: {  	s3 =	sld [smem:$0x3FFE];
	_ =	sdelay $0x1  }
0x8a: {  	s1 =	srdreg.scid  }
0x8b: {  	s0 =	sand.u32 $0x1, s1  }
0x8c: {  	s18 =	sshll.u32 s0, $0xA;
	s2 =	sadd.s32 s3, s2  }
0x8d: {  	s2 =	sadd.s32 s2, s18  }
0x8e: {  	[smem:$0x3FC6] =	sst s2  }
0x8f: {  	_ = 	snop  }
0x90: {  	s2 =	sld [smem:$0x3FC9]  }
0x91: {  	s19 =	sld [smem:$0x3FC8]  }
0x92: {  	s4 =	sld [smem:$0x3FD0];
	(tm) =	ssettm $0x1  }
0x93: {  	s5 =	sld [smem:$0x3FFB];
	_ =	sdelay $0x3  }
0x94: {  	_ =	strace s5  }
0x95: {  	s5 =	sld [smem:$0x3FFC];
	_ =	sdelay $0x3  }
0x96: {  	_ =	strace s5  }
0x97: {  	s5 =	sld [smem:$0x3FFD];
	_ =	sdelay $0x3  }
0x98: {  	_ =	strace s5  }
0x99: {  	_ =	strace $0x8FFFFFFF  }
0x9a: {  	s20 =	sld [smem:$0x3FDB];
	_ =	sdelay $0x1  }
0x9b: {  	s6 =	simm.s32 $_scs_section_size  }
0x9c: {  	s7 =	simm.s32 $_size__tile_overlayer_lowered;
	s8 =	simm.s32 $_tile_overlayer_lowered  }
0x9d: {  	s23 =	simm.s32 $0x1BFF;
	s22 =	sshll.u32 s8, $0x1;
	s5 =	sadd.s32 s6, s20  }
0x9e: {  	s9 =	simm.s32 $0x0;
	s21 =	sshll.u32 s7, $0x1;
	s7 =	sadd.s32 s22, s5  }
0x9f: {  	[timem:s9], [sflag:s23] =	dma.local [hbm:s7], s21  }
0xa0: {  	_ =	swait.ge [sflag:s23], s21  }
0xa1: {  	s6 =	ssub.s32 $0x0, s21;
	[sflag:s23] =	ssyncset.done $0x0  }
0xa2: {  	[sflag:s23] =	ssyncadd.s32 s6;
	_ =	sdelay $0x1  }
0xa3: {  	s24 =	simm.s32 $0x1B8B  }
0xa4: {  	_ =	swait.ge [sflag:s24], $0x1  }
0xa5: {  	[sflag:s24] =	ssyncset.done $0x0  }
0xa6: {  	s25 =	simm.s32 $0x1B8E;
	[sflag:s24] =	ssyncadd.s32 $0xFFFFFFFF  }
0xa7: {  	s26 =	simm.s32 $execute0_lowered;
	[smem:$0x3FD2] =	sst s25  }
0xa8: {  	s6 =	sshll.u32 s26, $0x1;
	_ =	strace $0x80000046;
	[dreg:$0x1] =	wrdreg $0xFFFFFFFF  }
0xa9: {  	s28 =	simm.s32 $_size_execute0_lowered;
	s5 =	sadd.s32 s5, s6;
	[dreg:$0x0] =	wrdreg $0x0  }
0xaa: {  	s6 =	sshll.u32 s28, $0x1;
	[dreg:$0x2] =	wrdreg s5  }
0xab: {  	[dreg:$0x3] =	wrdreg s6  }
0xac: {  	[dreg:$0x4] =	wrdreg $0xC0  }
0xad: {  	_ =	task [dreg:s9], $0x5FFFF  }
0xae: {  	[dreg:$0x1] =	wrdreg $0xFFFFFFFF  }
0xaf: {  	[dreg:$0x0] =	wrdreg $0x60  }
0xb0: {  	[dreg:$0x2] =	wrdreg s2  }
0xb1: {  	[dreg:$0x3] =	wrdreg s19  }
0xb2: {  	[dreg:$0x4] =	wrdreg s4  }
0xb3: {  	[dreg:$0x5] =	wrdreg $0x9  }
0xb4: {  	_ =	task.clear_ibuf [dreg:s9], $0x6FFFF;
	_ =	strace $0x90000046  }
0xb5: {  	s29 =	simm.s32 $0x9;
	_ =	strace $0x80000048  }
0xb6: {  	_ =	swait.ge [sflag:s29], $0x1  }
0xb7: {  	[sflag:s29] =	ssyncadd.s32 $0xFFFFFFFF  }
0xb8: {  	_ =	strace $0x90000048  }
0xb9: {  	_ =	sfence  }
0xba: {  	s30 =	sld [smem:$0x0];
	_ =	sdelay $0x2  }
0xbb: {  	s31 =	sshll.u32 s1, $0xD;
	s1 =	sshrl.u32 s1, $0x2  }
0xbc: {  	s3 =	sand.u32 $0x4000, s31;
	s1 =	sadd.s32 s1, s30  }
0xbd: {  	s0 =	sor.u32 s3, s0;
	s1 =	sshll.u32 s1, $0x11  }
0xbe: {  	s0 =	sor.u32 s1, s0  }
0xbf: {  	s0 =	sadd.s32 $0x8F2B, s0  }
0xc0: {  	[sflag:s0] =	ssyncadd.remote.s32 $0x1  }
0xc1: {  	_ =	sfence.sel $0xFFFF  }
0xc2: {  	[dreg:$0x0] =	wrdreg $0xFFFFFFFF;
	(pc) =	sbr.abs _section_cstart, $3  }
0xc3: {  	[dreg:$0x1] =	wrdreg $0xFFFFFFFF  }
0xc4: {  	_ =	task.clear_ibuf [dreg:s9], $0x2FFFF;
	_ =	strace $0x9FFFFFFF  }
0xc5: {  	(tm) =	ssettm $0x7FFFFFFF  }
tec
execute0_lowered:
.L_overlay_start_1:
0x0: {  	(tag) =	ssettag $0x1  }
0x1: {  	s4 =	rddreg [dreg:$0x0]  }
0x2: {  	s1 =	rddreg [dreg:$0x1]  }
0x3: {  	s6 =	rddreg [dreg:$0x2]  }
0x4: {  	s0 =	rddreg [dreg:$0x3];
	s5 =	srdreg.scid  }
0x5: {  	s3 =	simm.s32 $0x0;
	s2 =	stileid.u32;
	s11 =	simm.s32 $0xA00  }
0x6: {  	s12 =	simm.s32 $0x4A00;
	s13 =	simm.s32 $0x1;
	s14 =	simm.s32 $0x0  }
0x7: {  	s5 =	sand.u32 $0x1, s5;
	[smem:$0x7FF] =	sst s3;
	s8 =	sshll.u32 s2, $0x1  }
0x8: {  	v0 =	vimm.s32 $0x0;
	s30 =	sshll.u32 s2, $0x11;
	s7 =	ssub.s32 $0x2, s5;
	_ =	strace $0x80000047  }
0x9: {  	v1 =	vimm.s32 $0x1;
	v2 =	vimm.s32 $0x2;
	v3 =	vimm.s32 $0x3;
	s10 =	sand.u32 $0xE, s8;
	s8 =	sand.u32 $0x10, s8;
	s31 =	sand.u32 $0x100000, s30  }
0xa: {  	v4 =	vimm.s32 $0x4;
	v5 =	vimm.s32 $0x5;
	v6 =	vimm.s32 $0x6;
	s9 =	sshrl.u32 s7, $0x1;
	s5 =	sor.u32 s5, s10;
	s8 =	sadd.s32 s4, s8  }
0xb: {  	v7 =	vimm.s32 $0x7;
	v8 =	vimm.s32 $0x8;
	v9 =	vimm.s32 $0x9;
	s6 =	sadd.s32 s6, s31;
	s10 =	simm.s32 $0x2;
	s7 =	ssub.s32 s7, s9  }
0xc: {  	v10 =	vimm.s32 $0xA;
	v11 =	vimm.s32 $0xB;
	v12 =	vimm.s32 $0xC;
	s29 =	sshll.u32 s5, $0x8;
	s4 =	sshll.u32 s5, $0x9;
	s9 =	simm.s32 $0x200  }
0xd: {  	v13 =	vimm.s32 $0xD;
	v14 =	vimm.s32 $0xE;
	v15 =	vimm.s32 $0xF;
	s5 =	sadd.s32 s29, s8;
	s7 =	smax.u32 s7, $0x1;
	s8 =	simm.s32 $0x80  }
.LBB2_1:
0xe: {  	[tilespmem:s3], [sflag:$0x2] =	stream.strided.gather [hbm4b:s5+s8], $0x200, s9, s8, $0x38;
	[tilespmem:$0x8A00] =	vst v63  }
0xf: {  	_ =	swait.ge [sflag:s10], $0x200  }
0x10: {  	[sflag:s10] =	ssyncset.done $0x0  }
0x11: {  	[sflag:s10] =	ssyncadd.s32 $0xFFFFFE00  }
0x12: {  	[tilespmem:s9], [sflag:$0x2] =	stream.linear.gather [hbm4b:s1+s3], $0x800, $0x38;
	[tilespmem:$0x8A00] =	vst v63  }
0x13: {  	_ =	swait.ge [sflag:s10], $0x800  }
0x14: {  	[sflag:s10] =	ssyncset.done $0x0  }
0x15: {  	s15 =	simm.s32 $0x0;
	[sflag:s10] =	ssyncadd.s32 $0xFFFFF800  }
.LBB2_2:
0x16: {  	s16 =	sshll.u32 s15, $0x5  }
0x17: {  	v31 =	vld [tilespmem:s16+$0x0]  }
0x18: {  	p0 =	seq.s32 s15, $0x0  }
0x19: {  	s17 =	simm.s32 @!p0 $0x1  }
0x1a: {  	s18 =	simm.s32 $0x0;
	_ =	swait.ge @!p0 [sflag:s17], $0x4000  }
0x1b: {  	s19 =	simm.s32 $0x0;
	s18 =	sand.u32 $0x70, s18;
	[sflag:s17] =	ssyncset.done @!p0 $0x0  }
0x1c: {  	s30 =	sor.u32 s18, s19;
	[sflag:s17] =	ssyncadd.s32 @!p0 $0xFFFFC000;
	v16 =	vperm.xlane v31, v0;
	v17 =	vperm.xlane v31, v1  }
0x1d: {  	v19 =	vld [tilespmem:s30+$0x280];
	v18 =	vperm.xlane v31, v2;
	v20 =	vperm.xlane v31, v3  }
0x1e: {  	v32 =	vld [tilespmem:s30+$0x200];
	v21 =	vperm.xlane v31, v4;
	v22 =	vperm.xlane v31, v8  }
0x1f: {  	v27 =	vperm.xlane v31, v10;
	v34 =	vperm.xlane v31, v11  }
0x20: {  	v16 =	vcvt.s32.f32 v16;
	v25 =	vcvt.s32.f32 v17  }
0x21: {  	v26 =	vcvt.s32.f32 v18;
	v24 =	vcvt.s32.f32 v20  }
0x22: {  	v17 =	vperm.xlane v31, v5;
	v18 =	vperm.xlane v31, v6  }
0x23: {  	v21 =	vcvt.s32.f32 v21;
	v20 =	vperm.xlane v31, v7;
	v33 =	vsub.f32 v19, v32  }
0x24: {  	v23 =	vcvt.s32.f32 v17;
	v18 =	vcvt.s32.f32 v18  }
0x25: {  	v17 =	vcvt.s32.f32 v22;
	v22 =	vmul.f32 v16, v33  }
0x26: {  	v19 =	vcvt.s32.f32 v20;
	v28 =	vmul.f32 v25, v33  }
0x27: {  	s31 =	simm.s32 $0x0;
	v20 =	vperm.xlane v31, v9;
	v29 =	vmul.f32 v26, v33;
	v30 =	vadd.f32 v22, v32  }
0x28: {  	s17 =	sor.u32 s18, s31;
	v54 =	vperm.xlane v31, v13;
	v35 =	vmul.f32 v21, v33;
	v28 =	vadd.f32 v28, v32  }
0x29: {  	v20 =	vcvt.s32.f32 v20;
	v53 =	vmul.f32 v18, v33;
	v29 =	vadd.f32 v29, v32;
	[tilespmem:s17+$0xA00] =	vst v30  }
0x2a: {  	v22 =	vcvt.s32.f32 v27;
	v27 =	vmul.f32 v24, v33;
	v52 =	vadd.f32 v35, v32;
	[tilespmem:s17+$0xA80] =	vst v28  }
0x2b: {  	v56 =	vperm.xlane v31, v14;
	v35 =	vadd.f32 v53, v32;
	v38 =	vmul.f32 v20, v33;
	[tilespmem:s17+$0xB00] =	vst v29  }
0x2c: {  	v37 =	vmul.f32 v23, v33;
	v30 =	vperm.xlane v31, v12;
	v36 =	vadd.f32 v27, v32;
	[tilespmem:s17+$0xC00] =	vst v52  }
0x2d: {  	v55 =	vmul.f32 v17, v33;
	v29 =	vmul.f32 v19, v33;
	[tilespmem:s17+$0xD00] =	vst v35;
	v58 =	vadd.f32 v38, v32  }
0x2e: {  	v27 =	vcvt.s32.f32 v34;
	v28 =	vcvt.s32.f32 v30;
	v30 =	vadd.f32 v37, v32;
	[tilespmem:s17+$0xB80] =	vst v36  }
0x2f: {  	v57 =	vmul.f32 v22, v33;
	v31 =	vperm.xlane v31, v15;
	v39 =	vadd.f32 v29, v32;
	[tilespmem:s17+$0x2A80] =	vst v58  }
0x30: {  	v29 =	vcvt.s32.f32 v54;
	v37 =	vadd.f32 v55, v32;
	v59 =	vmul.f32 v27, v33;
	[tilespmem:s17+$0xC80] =	vst v30  }
0x31: {  	v36 =	vadd.f32 v57, v32;
	v30 =	vcvt.s32.f32 v56;
	[tilespmem:s17+$0xD80] =	vst v39;
	v60 =	vmul.f32 v28, v33  }
0x32: {  	v31 =	vcvt.s32.f32 v31;
	[tilespmem:s17+$0x2A00] =	vst v37;
	v61 =	vmul.f32 v29, v33;
	v35 =	vadd.f32 v59, v32  }
0x33: {  	[tilespmem:s17+$0x2B00] =	vst v36;
	v62 =	vmul.f32 v30, v33;
	v38 =	vadd.f32 v60, v32  }
0x34: {  	v63 =	vadd.f32 v61, v32;
	[tilespmem:s17+$0x2B80] =	vst v35;
	v33 =	vmul.f32 v31, v33  }
0x35: {  	v34 =	vadd.f32 v62, v32;
	[tilespmem:s17+$0x2C00] =	vst v38  }
0x36: {  	s20 =	simm.s32 $0x0;
	s18 =	simm.s32 $0x10;
	[tilespmem:s17+$0x2C80] =	vst v63;
	v32 =	vadd.f32 v33, v32  }
0x37: {  	s22 =	simm.s32 $0x0;
	s19 =	simm.s32 $0x2;
	s21 =	sand.u32 $0x70, s18;
	[tilespmem:s17+$0x2D00] =	vst v34  }
.LBB2_3:
0x38: {  	p1 =	sne.s32 s19, $0x3F;
	s22 =	sor.u32 s21, s22;
	[tilespmem:s17+$0x2D80] =	vst v32  }
0x39: {  	v32 =	vld [tilespmem:s22+$0x280]  }
0x3a: {  	v33 =	vld [tilespmem:s22+$0x200];
	_ =	sdelay $0x4  }
0x3b: {  	v32 =	vsub.f32 v32, v33;
	_ =	sdelay $0x1  }
0x3c: {  	v34 =	vmul.f32 v16, v32;
	v35 =	vmul.f32 v25, v32  }
0x3d: {  	v36 =	vmul.f32 v26, v32;
	v37 =	vmul.f32 v24, v32  }
0x3e: {  	s17 =	sshll.u32 s20, $0xA;
	v38 =	vmul.f32 v21, v32;
	v34 =	vadd.f32 v34, v33;
	v35 =	vadd.f32 v35, v33  }
0x3f: {  	s17 =	sor.u32 s21, s17;
	v39 =	vmul.f32 v23, v32;
	v36 =	vadd.f32 v36, v33;
	v37 =	vadd.f32 v37, v33  }
0x40: {  	v40 =	vmul.f32 v19, v32;
	[tilespmem:s17+$0xA00] =	vst v34;
	v34 =	vadd.f32 v38, v33;
	v38 =	vmul.f32 v18, v32  }
0x41: {  	v41 =	vmul.f32 v20, v32;
	[tilespmem:s17+$0xA80] =	vst v35;
	v35 =	vadd.f32 v39, v33;
	v39 =	vmul.f32 v17, v32  }
0x42: {  	[tilespmem:s17+$0xB00] =	vst v36;
	v36 =	vadd.f32 v38, v33;
	v38 =	vadd.f32 v40, v33;
	v40 =	vmul.f32 v22, v32  }
0x43: {  	[tilespmem:s17+$0xB80] =	vst v37;
	v37 =	vadd.f32 v39, v33;
	v39 =	vadd.f32 v41, v33;
	v41 =	vmul.f32 v27, v32  }
0x44: {  	v42 =	vmul.f32 v29, v32;
	[tilespmem:s17+$0xC00] =	vst v34;
	v34 =	vadd.f32 v40, v33;
	v40 =	vmul.f32 v28, v32  }
0x45: {  	[tilespmem:s17+$0xC80] =	vst v35;
	v35 =	vadd.f32 v41, v33;
	v41 =	vmul.f32 v30, v32;
	v32 =	vmul.f32 v31, v32  }
0x46: {  	[tilespmem:s17+$0xD00] =	vst v36;
	v36 =	vadd.f32 v40, v33;
	v40 =	vadd.f32 v42, v33  }
0x47: {  	[tilespmem:s17+$0xD80] =	vst v38;
	v38 =	vadd.f32 v41, v33;
	v32 =	vadd.f32 v32, v33  }
0x48: {  	[tilespmem:s17+$0x2A00] =	vst v37  }
0x49: {  	[tilespmem:s17+$0x2A80] =	vst v39  }
.Ltmp0:
0x4a: {  	[tilespmem:s17+$0x2B00] =	vst v34;
	(pc) =	sbr.rel @p1 .LBB2_3-.Ltmp0, $4  }
0x4b: {  	[tilespmem:s17+$0x2B80] =	vst v35  }
0x4c: {  	[tilespmem:s17+$0x2C00] =	vst v36  }
0x4d: {  	s20 =	sshrl.u32 s19, $0x3;
	s18 =	sadd.s32 $0x10, s18;
	[tilespmem:s17+$0x2C80] =	vst v40  }
0x4e: {  	s19 =	sadd.s32 $0x1, s19;
	s21 =	sand.u32 $0x70, s18;
	s22 =	sshll.u32 s20, $0x8;
	[tilespmem:s17+$0x2D00] =	vst v38  }
0x4f: {  	s18 =	sor.u32 s21, s22;
	[tilespmem:s17+$0x2D80] =	vst v32  }
0x50: {  	v32 =	vld [tilespmem:s18+$0x280]  }
0x51: {  	v33 =	vld [tilespmem:s18+$0x200];
	_ =	sdelay $0x4  }
0x52: {  	v32 =	vsub.f32 v32, v33;
	_ =	sdelay $0x1  }
0x53: {  	v16 =	vmul.f32 v16, v32  }
0x54: {  	v25 =	vmul.f32 v25, v32  }
0x55: {  	s25 =	sshll.u32 s20, $0xA;
	v26 =	vmul.f32 v26, v32;
	v16 =	vadd.f32 v16, v33  }
0x56: {  	s17 =	sor.u32 s21, s25;
	v21 =	vmul.f32 v21, v32;
	v25 =	vadd.f32 v25, v33  }
0x57: {  	v24 =	vmul.f32 v24, v32;
	v26 =	vadd.f32 v26, v33;
	[tilespmem:s17+$0xA00] =	vst v16  }
0x58: {  	v23 =	vmul.f32 v23, v32;
	v21 =	vadd.f32 v21, v33;
	[tilespmem:s17+$0xA80] =	vst v25  }
0x59: {  	v19 =	vmul.f32 v19, v32;
	v16 =	vadd.f32 v24, v33;
	[tilespmem:s17+$0xB00] =	vst v26  }
0x5a: {  	v18 =	vmul.f32 v18, v32;
	v23 =	vadd.f32 v23, v33;
	[tilespmem:s17+$0xC00] =	vst v21  }
0x5b: {  	v19 =	vadd.f32 v19, v33;
	[tilespmem:s17+$0xB80] =	vst v16;
	v16 =	vmul.f32 v17, v32  }
0x5c: {  	[tilespmem:s17+$0xC80] =	vst v23;
	v17 =	vadd.f32 v18, v33;
	v18 =	vmul.f32 v20, v32  }
0x5d: {  	[tilespmem:s17+$0xD80] =	vst v19;
	v20 =	vmul.f32 v22, v32;
	v16 =	vadd.f32 v16, v33  }
0x5e: {  	[tilespmem:s17+$0xD00] =	vst v17;
	v17 =	vadd.f32 v18, v33;
	v18 =	vmul.f32 v27, v32  }
0x5f: {  	v19 =	vadd.f32 v20, v33;
	v20 =	vmul.f32 v28, v32;
	[tilespmem:s17+$0x2A00] =	vst v16  }
0x60: {  	v16 =	vmul.f32 v29, v32;
	v18 =	vadd.f32 v18, v33;
	[tilespmem:s17+$0x2A80] =	vst v17  }
0x61: {  	v17 =	vmul.f32 v30, v32;
	v20 =	vadd.f32 v20, v33;
	[tilespmem:s17+$0x2B00] =	vst v19  }
0x62: {  	v19 =	vmul.f32 v31, v32;
	v16 =	vadd.f32 v16, v33;
	[tilespmem:s17+$0x2B80] =	vst v18  }
0x63: {  	v17 =	vadd.f32 v17, v33;
	[tilespmem:s17+$0x2C00] =	vst v20  }
0x64: {  	s26 =	sadd.s32 s4, s16;
	v18 =	vadd.f32 v19, v33;
	[tilespmem:s17+$0x2C80] =	vst v16  }
0x65: {  	s18 =	sshll.u32 s26, $0x7;
	[tilespmem:s17+$0x2D00] =	vst v17  }
0x66: {  	s16 =	sor.u32 $0x10, s16;
	s28 =	sadd.s32 s18, s6;
	[tilespmem:s17+$0x2D80] =	vst v18  }
0x67: {  	[hbm4b:s28+s3] =	stream.linear.scatter [tilespmem:s11], [sflag:$0x1], $0x4000, $0x38;
	[tilespmem:$0x8A00] =	vst v63  }
0x68: {  	v31 =	vld [tilespmem:s16+$0x0];
	_ =	sdelay $0x1  }
0x69: {  	s17 =	simm.s32 @!p0 $0x1  }
0x6a: {  	s29 =	simm.s32 $0x0;
	_ =	swait.ge @!p0 [sflag:s17], $0x4000  }
0x6b: {  	s19 =	simm.s32 $0x0;
	s18 =	sand.u32 $0x70, s29;
	[sflag:s17] =	ssyncset.done @!p0 $0x0  }
0x6c: {  	s30 =	sor.u32 s18, s19;
	[sflag:s17] =	ssyncadd.s32 @!p0 $0xFFFFC000;
	v16 =	vperm.xlane v31, v0;
	v17 =	vperm.xlane v31, v1  }
0x6d: {  	v19 =	vld [tilespmem:s30+$0x280];
	v18 =	vperm.xlane v31, v2;
	v20 =	vperm.xlane v31, v3  }
0x6e: {  	v50 =	vld [tilespmem:s30+$0x200];
	v21 =	vperm.xlane v31, v4;
	v22 =	vperm.xlane v31, v8  }
0x6f: {  	v27 =	vperm.xlane v31, v10;
	v34 =	vperm.xlane v31, v11  }
0x70: {  	v16 =	vcvt.s32.f32 v16;
	v25 =	vcvt.s32.f32 v17  }
0x71: {  	v26 =	vcvt.s32.f32 v18;
	v24 =	vcvt.s32.f32 v20  }
0x72: {  	v17 =	vperm.xlane v31, v5;
	v18 =	vperm.xlane v31, v6  }
0x73: {  	v21 =	vcvt.s32.f32 v21;
	v20 =	vperm.xlane v31, v7;
	v51 =	vsub.f32 v19, v50  }
0x74: {  	v23 =	vcvt.s32.f32 v17;
	v18 =	vcvt.s32.f32 v18  }
0x75: {  	v17 =	vcvt.s32.f32 v22;
	v22 =	vmul.f32 v16, v51  }
0x76: {  	v19 =	vcvt.s32.f32 v20;
	v28 =	vmul.f32 v25, v51  }
0x77: {  	s31 =	simm.s32 $0x0;
	v20 =	vperm.xlane v31, v9;
	v29 =	vmul.f32 v26, v51;
	v30 =	vadd.f32 v22, v50  }
0x78: {  	s17 =	sor.u32 s18, s31;
	v54 =	vperm.xlane v31, v13;
	v35 =	vmul.f32 v21, v51;
	v28 =	vadd.f32 v28, v50  }
0x79: {  	v20 =	vcvt.s32.f32 v20;
	v53 =	vmul.f32 v18, v51;
	v29 =	vadd.f32 v29, v50;
	[tilespmem:s17+$0x4A00] =	vst v30  }
0x7a: {  	v22 =	vcvt.s32.f32 v27;
	v27 =	vmul.f32 v24, v51;
	v52 =	vadd.f32 v35, v50;
	[tilespmem:s17+$0x4A80] =	vst v28  }
0x7b: {  	v56 =	vperm.xlane v31, v14;
	v35 =	vadd.f32 v53, v50;
	v38 =	vmul.f32 v20, v51;
	[tilespmem:s17+$0x4B00] =	vst v29  }
0x7c: {  	v37 =	vmul.f32 v23, v51;
	v30 =	vperm.xlane v31, v12;
	v36 =	vadd.f32 v27, v50;
	[tilespmem:s17+$0x4C00] =	vst v52  }
0x7d: {  	v55 =	vmul.f32 v17, v51;
	v29 =	vmul.f32 v19, v51;
	[tilespmem:s17+$0x4D00] =	vst v35;
	v58 =	vadd.f32 v38, v50  }
0x7e: {  	v27 =	vcvt.s32.f32 v34;
	v28 =	vcvt.s32.f32 v30;
	v30 =	vadd.f32 v37, v50;
	[tilespmem:s17+$0x4B80] =	vst v36  }
0x7f: {  	v57 =	vmul.f32 v22, v51;
	v31 =	vperm.xlane v31, v15;
	v39 =	vadd.f32 v29, v50;
	[tilespmem:s17+$0x6A80] =	vst v58  }
0x80: {  	v29 =	vcvt.s32.f32 v54;
	v37 =	vadd.f32 v55, v50;
	v59 =	vmul.f32 v27, v51;
	[tilespmem:s17+$0x4C80] =	vst v30  }
0x81: {  	v36 =	vadd.f32 v57, v50;
	v30 =	vcvt.s32.f32 v56;
	[tilespmem:s17+$0x4D80] =	vst v39;
	v60 =	vmul.f32 v28, v51  }
0x82: {  	v31 =	vcvt.s32.f32 v31;
	[tilespmem:s17+$0x6A00] =	vst v37;
	v61 =	vmul.f32 v29, v51;
	v35 =	vadd.f32 v59, v50  }
0x83: {  	[tilespmem:s17+$0x6B00] =	vst v36;
	v62 =	vmul.f32 v30, v51;
	v38 =	vadd.f32 v60, v50  }
0x84: {  	v33 =	vmul.f32 v31, v51;
	v63 =	vadd.f32 v61, v50;
	[tilespmem:s17+$0x6B80] =	vst v35  }
0x85: {  	v34 =	vadd.f32 v62, v50;
	[tilespmem:s17+$0x6C00] =	vst v38  }
0x86: {  	s20 =	simm.s32 $0x0;
	s18 =	simm.s32 $0x10;
	v32 =	vadd.f32 v33, v50;
	[tilespmem:s17+$0x6C80] =	vst v63  }
0x87: {  	s22 =	simm.s32 $0x0;
	s19 =	simm.s32 $0x2;
	s21 =	sand.u32 $0x70, s18;
	[tilespmem:s17+$0x6D00] =	vst v34  }
.LBB2_5:
0x88: {  	p0 =	sne.s32 s19, $0x3F;
	s22 =	sor.u32 s21, s22;
	[tilespmem:s17+$0x6D80] =	vst v32  }
0x89: {  	v32 =	vld [tilespmem:s22+$0x280]  }
0x8a: {  	v33 =	vld [tilespmem:s22+$0x200];
	_ =	sdelay $0x4  }
0x8b: {  	v32 =	vsub.f32 v32, v33;
	_ =	sdelay $0x1  }
0x8c: {  	v34 =	vmul.f32 v16, v32;
	v35 =	vmul.f32 v25, v32  }
0x8d: {  	v36 =	vmul.f32 v26, v32;
	v37 =	vmul.f32 v24, v32  }
0x8e: {  	s17 =	sshll.u32 s20, $0xA;
	v38 =	vmul.f32 v21, v32;
	v34 =	vadd.f32 v34, v33;
	v35 =	vadd.f32 v35, v33  }
0x8f: {  	s17 =	sor.u32 s21, s17;
	v39 =	vmul.f32 v23, v32;
	v36 =	vadd.f32 v36, v33;
	v37 =	vadd.f32 v37, v33  }
0x90: {  	v40 =	vmul.f32 v19, v32;
	[tilespmem:s17+$0x4A00] =	vst v34;
	v34 =	vadd.f32 v38, v33;
	v38 =	vmul.f32 v18, v32  }
0x91: {  	v41 =	vmul.f32 v20, v32;
	[tilespmem:s17+$0x4A80] =	vst v35;
	v35 =	vadd.f32 v39, v33;
	v39 =	vmul.f32 v17, v32  }
0x92: {  	[tilespmem:s17+$0x4B00] =	vst v36;
	v36 =	vadd.f32 v38, v33;
	v38 =	vadd.f32 v40, v33;
	v40 =	vmul.f32 v22, v32  }
0x93: {  	[tilespmem:s17+$0x4B80] =	vst v37;
	v37 =	vadd.f32 v39, v33;
	v39 =	vadd.f32 v41, v33;
	v41 =	vmul.f32 v27, v32  }
0x94: {  	v42 =	vmul.f32 v29, v32;
	[tilespmem:s17+$0x4C00] =	vst v34;
	v34 =	vadd.f32 v40, v33;
	v40 =	vmul.f32 v28, v32  }
0x95: {  	[tilespmem:s17+$0x4C80] =	vst v35;
	v35 =	vadd.f32 v41, v33;
	v41 =	vmul.f32 v30, v32;
	v32 =	vmul.f32 v31, v32  }
0x96: {  	[tilespmem:s17+$0x4D00] =	vst v36;
	v36 =	vadd.f32 v40, v33;
	v40 =	vadd.f32 v42, v33  }
0x97: {  	[tilespmem:s17+$0x4D80] =	vst v38;
	v38 =	vadd.f32 v41, v33;
	v32 =	vadd.f32 v32, v33  }
0x98: {  	[tilespmem:s17+$0x6A00] =	vst v37  }
0x99: {  	[tilespmem:s17+$0x6A80] =	vst v39  }
.Ltmp1:
0x9a: {  	[tilespmem:s17+$0x6B00] =	vst v34;
	(pc) =	sbr.rel @p0 .LBB2_5-.Ltmp1, $4  }
0x9b: {  	[tilespmem:s17+$0x6B80] =	vst v35  }
0x9c: {  	[tilespmem:s17+$0x6C00] =	vst v36  }
0x9d: {  	s20 =	sshrl.u32 s19, $0x3;
	s18 =	sadd.s32 $0x10, s18;
	[tilespmem:s17+$0x6C80] =	vst v40  }
0x9e: {  	s19 =	sadd.s32 $0x1, s19;
	s21 =	sand.u32 $0x70, s18;
	s22 =	sshll.u32 s20, $0x8;
	[tilespmem:s17+$0x6D00] =	vst v38  }
0x9f: {  	s18 =	sor.u32 s21, s22;
	[tilespmem:s17+$0x6D80] =	vst v32  }
0xa0: {  	v32 =	vld [tilespmem:s18+$0x280]  }
0xa1: {  	v33 =	vld [tilespmem:s18+$0x200];
	_ =	sdelay $0x4  }
0xa2: {  	v32 =	vsub.f32 v32, v33;
	_ =	sdelay $0x1  }
0xa3: {  	v16 =	vmul.f32 v16, v32  }
0xa4: {  	v25 =	vmul.f32 v25, v32  }
0xa5: {  	s31 =	sshll.u32 s20, $0xA;
	v26 =	vmul.f32 v26, v32;
	v16 =	vadd.f32 v16, v33  }
0xa6: {  	s17 =	sor.u32 s21, s31;
	v21 =	vmul.f32 v21, v32;
	v25 =	vadd.f32 v25, v33  }
0xa7: {  	v23 =	vmul.f32 v23, v32;
	v26 =	vadd.f32 v26, v33;
	[tilespmem:s17+$0x4A00] =	vst v16  }
0xa8: {  	v19 =	vmul.f32 v19, v32;
	v21 =	vadd.f32 v21, v33;
	[tilespmem:s17+$0x4A80] =	vst v25  }
0xa9: {  	v24 =	vmul.f32 v24, v32;
	v23 =	vadd.f32 v23, v33;
	[tilespmem:s17+$0x4B00] =	vst v26  }
0xaa: {  	v58 =	vmul.f32 v22, v32;
	v19 =	vadd.f32 v19, v33;
	[tilespmem:s17+$0x4C00] =	vst v21  }
0xab: {  	v61 =	vmul.f32 v28, v32;
	v16 =	vadd.f32 v24, v33;
	[tilespmem:s17+$0x4C80] =	vst v23  }
0xac: {  	v18 =	vmul.f32 v18, v32;
	v60 =	vadd.f32 v58, v33;
	[tilespmem:s17+$0x4D80] =	vst v19  }
0xad: {  	v57 =	vmul.f32 v20, v32;
	v20 =	vadd.f32 v61, v33;
	[tilespmem:s17+$0x4B80] =	vst v16;
	v16 =	vmul.f32 v17, v32  }
0xae: {  	[tilespmem:s17+$0x6B00] =	vst v60;
	v17 =	vadd.f32 v18, v33  }
0xaf: {  	v62 =	vmul.f32 v31, v32;
	[tilespmem:s17+$0x6C00] =	vst v20;
	v16 =	vadd.f32 v16, v33  }
0xb0: {  	v59 =	vmul.f32 v27, v32;
	[tilespmem:s17+$0x4D00] =	vst v17;
	v17 =	vadd.f32 v57, v33  }
0xb1: {  	s15 =	sadd.s32 $0x1, s15;
	v63 =	vadd.f32 v62, v33;
	[tilespmem:s17+$0x6A00] =	vst v16;
	v16 =	vmul.f32 v29, v32  }
0xb2: {  	p0 =	sne.s32 s15, $0x10;
	v18 =	vadd.f32 v59, v33;
	[tilespmem:s17+$0x6A80] =	vst v17;
	v17 =	vmul.f32 v30, v32  }
.Ltmp2:
0xb3: {  	[tilespmem:s17+$0x6D80] =	vst v63;
	v16 =	vadd.f32 v16, v33;
	(pc) =	sbr.rel @p0 .LBB2_2-.Ltmp2, $4  }
0xb4: {  	s16 =	sadd.s32 s4, s16;
	[tilespmem:s17+$0x6B80] =	vst v18;
	v17 =	vadd.f32 v17, v33  }
0xb5: {  	s16 =	sshll.u32 s16, $0x7;
	[tilespmem:s17+$0x6C80] =	vst v16  }
0xb6: {  	s16 =	sadd.s32 s16, s6;
	[tilespmem:s17+$0x6D00] =	vst v17  }
0xb7: {  	[hbm4b:s16+s3] =	stream.linear.scatter [tilespmem:s12], [sflag:$0x1], $0x4000, $0x38;
	[tilespmem:$0x8A00] =	vst v63  }
0xb8: {  	s14 =	sadd.s32 $0x1, s14  }
0xb9: {  	_ =	swait.ge [sflag:s13], $0x4000;
	p0 =	sne.s32 s14, s7  }
.Ltmp3:
0xba: {  	[sflag:s13] =	ssyncset.done $0x0;
	(pc) =	sbr.rel @p0 .LBB2_1-.Ltmp3, $4  }
0xbb: {  	[sflag:s13] =	ssyncadd.s32 $0xFFFFC000  }
0xbc: {  	_ =	swait.ge [sflag:s13], $0x4000  }
0xbd: {  	[sflag:s13] =	ssyncset.done $0x0  }
0xbe: {  	[sflag:s13] =	ssyncadd.s32 $0xFFFFC000  }
0xbf: {  	_ =	sfence.sel $0x180000  }
0xc0: {  	[bflag:$0x0] =	sbarrier.arrive $0xFFFF  }
0xc1: {  	p0 =	sne.s32 s2, $0x0;
	_ =	strace $0x90000047  }
0xc2: {  	s0 =	sadd.s32 @!p0 $0x100000, s0;
	[bflag:$0x2] =	sbarrier.arrive $0xFFFF  }
0xc3: {  	[sflag:s0] =	ssyncadd.tile.s32 @!p0 $0x1;
	_ =	shalt  }
.Lfunc_end2:
_tile_overlayer_lowered:
.L_overlay_start_2:
0xc4: {  	(tag) =	ssettag $0x2  }
0xc5: {  	s0 =	rddreg [dreg:$0x0];
	s2 =	stileid.u32  }
0xc6: {  	s1 =	rddreg [dreg:$0x1];
	p0 =	sne.s32 s2, $0x0  }
0xc7: {  	s3 =	rddreg [dreg:$0x2];
	[bflag:$0x3] =	sbarrier.arrive $0xFFFF;
	s2 =	simm.s32 @!p0 $0x1C02  }
0xc8: {  	[timem:s3], [sflag:s2] =	dma.local @!p0 [hbm:s0], s1  }
0xc9: {  	s0 =	simm.s32 @!p0 $0x2  }
0xca: {  	_ =	swait.ge @!p0 [sflag:s0], s1  }
0xcb: {  	s1 =	ssub.s32 @!p0 $0x0, s1;
	[sflag:s0] =	ssyncset.done @!p0 $0x0  }
0xcc: {  	[sflag:s0] =	ssyncadd.s32 @!p0 s1  }
0xcd: {  	[bflag:$0x3] =	sbarrier.arrive $0xFFFF  }
0xce: {  	_ =	shalt  }

</sc_bundles>
